<compile_context>
chip_gen: v7x
topology: tpu7x:2x2x1
jax: 0.10.2.dev20260603
libtpu: 0.0.44.dev20260713+nightly
codegen_flags: <defaults>
</compile_context>

<pallas_src>
import functools

import jax
import jax.numpy as jnp
from jax import lax
from jax.experimental import pallas as pl
from jax.experimental.pallas import tpu as pltpu
from jax.experimental.pallas import tpu_sc as plsc

N = 10000
E = 160000
D = 256
DH = 128
NP = 10240
STRIPE = NP // 16
G = 128
CH = 79
TPT = CH * G
EPAD = 16 * TPT

_mesh = plsc.VectorSubcoreMesh(core_axis_name="c", subcore_axis_name="s")


KR = 4000
AHI = NP // 128


def _deg_body(col_ref, o_ref):
    i = pl.program_id(0)
    cb = col_ref[...]
    part = jnp.zeros((AHI, 128), jnp.float32)
    for t in range(8):
        ct = cb[:, t:t + 1]
        hi = jax.lax.shift_right_logical(ct, 7)
        lo = jnp.bitwise_and(ct, 127)
        oh_hi = (hi == jax.lax.broadcasted_iota(jnp.int32, (1, AHI), 1)
                 ).astype(jnp.bfloat16)
        oh_lo = (lo == jax.lax.broadcasted_iota(jnp.int32, (1, 128), 1)
                 ).astype(jnp.bfloat16)
        part += lax.dot_general(oh_hi, oh_lo, (((0,), (0,)), ((), ())),
                                preferred_element_type=jnp.float32)

    @pl.when(i == 0)
    def _():
        o_ref[...] = jnp.zeros_like(o_ref)

    o_ref[...] += part


def _tc_degree(col2):
    return pl.pallas_call(
        _deg_body,
        grid=(E // 8 // KR,),
        in_specs=[pl.BlockSpec((KR, 8), lambda i: (i, 0))],
        out_specs=pl.BlockSpec((AHI, 128), lambda i: (0, 0)),
        out_shape=jax.ShapeDtypeStruct((AHI, 128), jnp.float32),
    )(col2)


@functools.partial(
    pl.kernel,
    mesh=_mesh,
    out_type=[jax.ShapeDtypeStruct((NP, DH), jnp.float32)] * 2,
    scratch_types=[
        pltpu.VMEM((CH, G), jnp.int32),
        pltpu.VMEM((CH, G), jnp.int32),
        pltpu.VMEM((G, DH), jnp.float32),
        pltpu.VMEM_SHARED((NP, DH), jnp.float32),
        pltpu.SemaphoreType.DMA,
    ],
)
def _sc_edge_agg(hsa_hbm, hsb_hbm, rowp_hbm, colp_hbm, zc_hbm,
                 oa_hbm, ob_hbm, rowv, colv, buf, acc, sem):
    c = lax.axis_index("c")
    s = lax.axis_index("s")

    d0 = pltpu.async_copy(zc_hbm, acc.at[pl.ds(s * STRIPE, STRIPE)], sem)
    d1 = pltpu.async_copy(rowp_hbm.at[s], rowv, sem)
    d2 = pltpu.async_copy(colp_hbm.at[s], colv, sem)
    d0.wait()
    d1.wait()
    d2.wait()
    plsc.subcore_barrier()

    for cv, hsr in ((0, hsa_hbm), (1, hsb_hbm)):
        @pl.when(c == cv)
        def _(hsr=hsr):
            def body(j, carry):
                pltpu.sync_copy(hsr.at[rowv.at[j]], buf)
                pltpu.sync_copy(buf, acc.at[colv.at[j]], add=True)
                return carry

            lax.fori_loop(0, CH, body, 0)

    plsc.subcore_barrier()
    for cv, outr in ((0, oa_hbm), (1, ob_hbm)):
        @pl.when(c == cv)
        def _(outr=outr):
            pltpu.sync_copy(acc.at[pl.ds(s * STRIPE, STRIPE)],
                            outr.at[pl.ds(s * STRIPE, STRIPE)])


BN = 512


def _mm_body(x_ref, w_ref, deg_ref, oa_ref, ob_ref):
    h = jnp.dot(x_ref[...], w_ref[...], preferred_element_type=jnp.float32)
    dinv = lax.rsqrt(deg_ref[...] + 1.0)
    hs = h * dinv
    oa_ref[...] = hs[:, :DH]
    ob_ref[...] = hs[:, DH:]


def _tc_matmul_scale(x, w, degf):
    return pl.pallas_call(
        _mm_body,
        grid=(NP // BN,),
        in_specs=[
            pl.BlockSpec((BN, D), lambda i: (i, 0)),
            pl.BlockSpec((D, D), lambda i: (0, 0)),
            pl.BlockSpec((BN, 1), lambda i: (i, 0)),
        ],
        out_specs=[
            pl.BlockSpec((BN, DH), lambda i: (i, 0)),
            pl.BlockSpec((BN, DH), lambda i: (i, 0)),
        ],
        out_shape=[jax.ShapeDtypeStruct((NP, DH), jnp.float32)] * 2,
    )(x, w, degf)


def _mid_body(aa_ref, ab_ref, ha_ref, hb_ref, deg_ref, b_ref, w_ref,
              oa_ref, ob_ref):
    dinv = lax.rsqrt(deg_ref[...] + 1.0)
    ya = (aa_ref[...] + ha_ref[...]) * dinv + b_ref[0, :DH]
    yb = (ab_ref[...] + hb_ref[...]) * dinv + b_ref[0, DH:]
    h1 = jnp.maximum(jnp.concatenate([ya, yb], axis=1), 0.0)
    h = jnp.dot(h1, w_ref[...], preferred_element_type=jnp.float32)
    hs = h * dinv
    oa_ref[...] = hs[:, :DH]
    ob_ref[...] = hs[:, DH:]


def _tc_mid(agg_a, agg_b, hs_a, hs_b, degf, b1, w2):
    return pl.pallas_call(
        _mid_body,
        grid=(NP // BN,),
        in_specs=[
            pl.BlockSpec((BN, DH), lambda i: (i, 0)),
            pl.BlockSpec((BN, DH), lambda i: (i, 0)),
            pl.BlockSpec((BN, DH), lambda i: (i, 0)),
            pl.BlockSpec((BN, DH), lambda i: (i, 0)),
            pl.BlockSpec((BN, 1), lambda i: (i, 0)),
            pl.BlockSpec((1, D), lambda i: (0, 0)),
            pl.BlockSpec((D, D), lambda i: (0, 0)),
        ],
        out_specs=[
            pl.BlockSpec((BN, DH), lambda i: (i, 0)),
            pl.BlockSpec((BN, DH), lambda i: (i, 0)),
        ],
        out_shape=[jax.ShapeDtypeStruct((NP, DH), jnp.float32)] * 2,
    )(agg_a, agg_b, hs_a, hs_b, degf, b1.reshape(1, D), w2)


def _combine_body(aa_ref, ab_ref, ha_ref, hb_ref, deg_ref, b_ref, o_ref):
    dinv = lax.rsqrt(deg_ref[...] + 1.0)
    ya = (aa_ref[...] + ha_ref[...]) * dinv + b_ref[0, :DH]
    yb = (ab_ref[...] + hb_ref[...]) * dinv + b_ref[0, DH:]
    o_ref[...] = jnp.concatenate([ya, yb], axis=1)


def _tc_combine(agg_a, agg_b, hs_a, hs_b, degf, b):
    return pl.pallas_call(
        _combine_body,
        grid=(NP // BN,),
        in_specs=[
            pl.BlockSpec((BN, DH), lambda i: (i, 0)),
            pl.BlockSpec((BN, DH), lambda i: (i, 0)),
            pl.BlockSpec((BN, DH), lambda i: (i, 0)),
            pl.BlockSpec((BN, DH), lambda i: (i, 0)),
            pl.BlockSpec((BN, 1), lambda i: (i, 0)),
            pl.BlockSpec((1, D), lambda i: (0, 0)),
        ],
        out_specs=pl.BlockSpec((BN, D), lambda i: (i, 0)),
        out_shape=jax.ShapeDtypeStruct((NP, D), jnp.float32),
    )(agg_a, agg_b, hs_a, hs_b, degf, b.reshape(1, D))


def kernel(x, edge_index, W1, b1, W2, b2):
    row0 = edge_index[0]
    col0 = edge_index[1]
    rowp = jnp.pad(row0, (0, EPAD - E)).reshape(16, CH, G)
    colp = jnp.pad(col0, (0, EPAD - E), constant_values=N).reshape(16, CH, G)
    xp = jnp.pad(x, ((0, NP - N), (0, 0)))
    zc = jnp.zeros((STRIPE, DH), jnp.float32)

    degf = _tc_degree(col0.reshape(E // 8, 8)).reshape(NP, 1)

    hs1a, hs1b = _tc_matmul_scale(xp, W1, degf)
    agg1a, agg1b = _sc_edge_agg(hs1a, hs1b, rowp, colp, zc)
    hs2a, hs2b = _tc_mid(agg1a, agg1b, hs1a, hs1b, degf, b1, W2)
    agg2a, agg2b = _sc_edge_agg(hs2a, hs2b, rowp, colp, zc)
    return _tc_combine(agg2a, agg2b, hs2a, hs2b, degf, b2)[:N]

# --- scband reference (transcript-rebuilt; emitter-appended) ---
"""Pipeline reference for scband-bias-gcn-13993003450536 (READ-ONLY COPY).

The authoritative reference and input builder live on the scoring server;
editing this copy changes nothing except your own understanding.
"""

import jax, jax.numpy as jnp
import numpy as np

N = 10000
E = 160000
D_IN = 256
D_HID = 256
D_OUT = 256


def setup_inputs(seed: int = 0) -> dict:
    key = jax.random.key(seed)
    k1, k2, k3, k4 = jax.random.split(key, 4)
    x = jax.random.normal(k1, (N, D_IN), dtype=jnp.float32)
    edge_index = jax.random.randint(k2, (2, E), 0, N, dtype=jnp.int32)
    W1 = jax.random.normal(k3, (D_IN, D_HID), dtype=jnp.float32) * 0.05
    b1 = jnp.zeros((D_HID,), dtype=jnp.float32)
    W2 = jax.random.normal(k4, (D_HID, D_OUT), dtype=jnp.float32) * 0.05
    b2 = jnp.zeros((D_OUT,), dtype=jnp.float32)
    return {"x": x, "edge_index": edge_index, "W1": W1, "b1": b1, "W2": W2, "b2": b2}


def reference(x, edge_index, W1, b1, W2, b2):
    # PyG GCNConv semantics: add self-loops, symmetric normalization,
    # linear transform, scatter-add aggregation over destination nodes,
    # then add bias. Dropout is a no-op in eval mode.
    row0 = edge_index[0]
    col0 = edge_index[1]
    loop = jnp.arange(N, dtype=row0.dtype)
    row = jnp.concatenate([row0, loop])
    col = jnp.concatenate([col0, loop])
    ew = jnp.ones(row.shape[0], dtype=jnp.float32)
    deg = jnp.zeros((N,), dtype=jnp.float32).at[col].add(ew)
    dinv = jnp.where(deg > 0, jax.lax.rsqrt(jnp.maximum(deg, 1e-12)), 0.0)
    norm = dinv[row] * ew * dinv[col]

    def gcn_conv(h, W, b):
        h = h @ W
        msg = h[row] * norm[:, None]
        out = jnp.zeros((N, h.shape[1]), dtype=h.dtype).at[col].add(msg)
        return out + b

    h = jax.nn.relu(gcn_conv(x, W1, b1))
    out = gcn_conv(h, W2, b2)
    return out

if __name__ == "__main__":
    import jax
    _d = setup_inputs()
    print(jax.jit(kernel)(*tuple(_d.values())))

</pallas_src>

<mosaic_0001>
#map = affine_map<(d0, d1) -> (0, 0)>
#map1 = affine_map<(d0, d1) -> (0, 0, 0)>
module attributes {stable_mosaic.version = 14 : i64} {
  func.func @_sc_edge_agg(%arg0: i32, %arg1: i32, %arg2: memref<10240x128xf32, #tpu.memory_space<hbm>>, %arg3: memref<10240x128xf32, #tpu.memory_space<hbm>>, %arg4: memref<16x79x128xi32, #tpu.memory_space<hbm>>, %arg5: memref<16x79x128xi32, #tpu.memory_space<hbm>>, %arg6: memref<640x128xf32, #tpu.memory_space<hbm>>, %arg7: memref<10240x128xf32, #tpu.memory_space<hbm>>, %arg8: memref<10240x128xf32, #tpu.memory_space<hbm>>, %arg9: memref<79x128xi32, #tpu.memory_space<vmem>>, %arg10: memref<79x128xi32, #tpu.memory_space<vmem>>, %arg11: memref<128x128xf32, #tpu.memory_space<vmem>>, %arg12: memref<10240x128xf32, #tpu.memory_space<vmem_shared>>, %arg13: memref<!tpu.dma_semaphore, #tpu.memory_space<semaphore_mem>>) attributes {dimension_semantics = [#tpu.dimension_semantics<core_parallel>, #tpu.dimension_semantics<subcore_parallel>], iteration_bounds = array<i64: 2, 16>, scalar_prefetch = 0 : i64, scratch_operands = 5 : i64, tpu.core_type = #tpu.core_type<sc_vector_subcore>, window_params = [{transform_indices = #map}, {transform_indices = #map}, {transform_indices = #map1}, {transform_indices = #map1}, {transform_indices = #map}, {transform_indices = #map}, {transform_indices = #map}]} {
    %mul3A = arith.constant 640 : i32
    %mul3A_0 = arith.muli %arg1, %mul3A : i32
    %dma_start3A = arith.constant 0 : i32
    %dma_start3A_1 = tpu.memref_slice %arg12[%mul3A_0, %dma_start3A] : memref<10240x128xf32, #tpu.memory_space<vmem_shared>> -> memref<640x128xf32, #tpu.memory_space<vmem_shared>>
    tpu.enqueue_dma source(%arg6 : memref<640x128xf32, #tpu.memory_space<hbm>>) target(%dma_start3A_1 : memref<640x128xf32, #tpu.memory_space<vmem_shared>>) target_semaphore(%arg13 : memref<!tpu.dma_semaphore, #tpu.memory_space<semaphore_mem>>)
    %dma_start3A_2 = arith.constant 0 : i32
    %dma_start3A_3 = arith.constant 0 : i32
    %dma_start3A_4 = tpu.memref_slice %arg4[%arg1, %dma_start3A_2, %dma_start3A_3] : memref<16x79x128xi32, #tpu.memory_space<hbm>> -> memref<1x79x128xi32, #tpu.memory_space<hbm>>
    %dma_start3A_5 = tpu.memref_squeeze %dma_start3A_4 : memref<1x79x128xi32, #tpu.memory_space<hbm>> -> memref<79x128xi32, #tpu.memory_space<hbm>>
    %dma_start3A_6 = arith.constant 0 : i32
    %dma_start3A_7 = arith.constant 0 : i32
    %dma_start3A_8 = tpu.memref_slice %arg4[%arg1, %dma_start3A_6, %dma_start3A_7] : memref<16x79x128xi32, #tpu.memory_space<hbm>> -> memref<1x79x128xi32, #tpu.memory_space<hbm>>
    %dma_start3A_9 = tpu.memref_squeeze %dma_start3A_8 : memref<1x79x128xi32, #tpu.memory_space<hbm>> -> memref<79x128xi32, #tpu.memory_space<hbm>>
    tpu.enqueue_dma source(%dma_start3A_9 : memref<79x128xi32, #tpu.memory_space<hbm>>) target(%arg9 : memref<79x128xi32, #tpu.memory_space<vmem>>) target_semaphore(%arg13 : memref<!tpu.dma_semaphore, #tpu.memory_space<semaphore_mem>>)
    %dma_start3A_10 = arith.constant 0 : i32
    %dma_start3A_11 = arith.constant 0 : i32
    %dma_start3A_12 = tpu.memref_slice %arg5[%arg1, %dma_start3A_10, %dma_start3A_11] : memref<16x79x128xi32, #tpu.memory_space<hbm>> -> memref<1x79x128xi32, #tpu.memory_space<hbm>>
    %dma_start3A_13 = tpu.memref_squeeze %dma_start3A_12 : memref<1x79x128xi32, #tpu.memory_space<hbm>> -> memref<79x128xi32, #tpu.memory_space<hbm>>
    %dma_start3A_14 = arith.constant 0 : i32
    %dma_start3A_15 = arith.constant 0 : i32
    %dma_start3A_16 = tpu.memref_slice %arg5[%arg1, %dma_start3A_14, %dma_start3A_15] : memref<16x79x128xi32, #tpu.memory_space<hbm>> -> memref<1x79x128xi32, #tpu.memory_space<hbm>>
    %dma_start3A_17 = tpu.memref_squeeze %dma_start3A_16 : memref<1x79x128xi32, #tpu.memory_space<hbm>> -> memref<79x128xi32, #tpu.memory_space<hbm>>
    tpu.enqueue_dma source(%dma_start3A_17 : memref<79x128xi32, #tpu.memory_space<hbm>>) target(%arg10 : memref<79x128xi32, #tpu.memory_space<vmem>>) target_semaphore(%arg13 : memref<!tpu.dma_semaphore, #tpu.memory_space<semaphore_mem>>)
    %dma_wait3A = arith.constant 0 : i32
    %dma_wait3A_18 = tpu.memref_slice %arg12[%mul3A_0, %dma_wait3A] : memref<10240x128xf32, #tpu.memory_space<vmem_shared>> -> memref<640x128xf32, #tpu.memory_space<vmem_shared>>
    tpu.wait_dma2 semaphore(%arg13 : memref<!tpu.dma_semaphore, #tpu.memory_space<semaphore_mem>>) src(%arg6 : memref<640x128xf32, #tpu.memory_space<hbm>>) dst(%dma_wait3A_18 : memref<640x128xf32, #tpu.memory_space<vmem_shared>>)
    %dma_wait3A_19 = arith.constant 0 : i32
    %dma_wait3A_20 = arith.constant 0 : i32
    %dma_wait3A_21 = tpu.memref_slice %arg4[%arg1, %dma_wait3A_19, %dma_wait3A_20] : memref<16x79x128xi32, #tpu.memory_space<hbm>> -> memref<1x79x128xi32, #tpu.memory_space<hbm>>
    %dma_wait3A_22 = tpu.memref_squeeze %dma_wait3A_21 : memref<1x79x128xi32, #tpu.memory_space<hbm>> -> memref<79x128xi32, #tpu.memory_space<hbm>>
    %dma_wait3A_23 = arith.constant 0 : i32
    %dma_wait3A_24 = arith.constant 0 : i32
    %dma_wait3A_25 = tpu.memref_slice %arg4[%arg1, %dma_wait3A_23, %dma_wait3A_24] : memref<16x79x128xi32, #tpu.memory_space<hbm>> -> memref<1x79x128xi32, #tpu.memory_space<hbm>>
    %dma_wait3A_26 = tpu.memref_squeeze %dma_wait3A_25 : memref<1x79x128xi32, #tpu.memory_space<hbm>> -> memref<79x128xi32, #tpu.memory_space<hbm>>
    tpu.wait_dma2 semaphore(%arg13 : memref<!tpu.dma_semaphore, #tpu.memory_space<semaphore_mem>>) src(%dma_wait3A_26 : memref<79x128xi32, #tpu.memory_space<hbm>>) dst(%arg9 : memref<79x128xi32, #tpu.memory_space<vmem>>)
    %dma_wait3A_27 = arith.constant 0 : i32
    %dma_wait3A_28 = arith.constant 0 : i32
    %dma_wait3A_29 = tpu.memref_slice %arg5[%arg1, %dma_wait3A_27, %dma_wait3A_28] : memref<16x79x128xi32, #tpu.memory_space<hbm>> -> memref<1x79x128xi32, #tpu.memory_space<hbm>>
    %dma_wait3A_30 = tpu.memref_squeeze %dma_wait3A_29 : memref<1x79x128xi32, #tpu.memory_space<hbm>> -> memref<79x128xi32, #tpu.memory_space<hbm>>
    %dma_wait3A_31 = arith.constant 0 : i32
    %dma_wait3A_32 = arith.constant 0 : i32
    %dma_wait3A_33 = tpu.memref_slice %arg5[%arg1, %dma_wait3A_31, %dma_wait3A_32] : memref<16x79x128xi32, #tpu.memory_space<hbm>> -> memref<1x79x128xi32, #tpu.memory_space<hbm>>
    %dma_wait3A_34 = tpu.memref_squeeze %dma_wait3A_33 : memref<1x79x128xi32, #tpu.memory_space<hbm>> -> memref<79x128xi32, #tpu.memory_space<hbm>>
    tpu.wait_dma2 semaphore(%arg13 : memref<!tpu.dma_semaphore, #tpu.memory_space<semaphore_mem>>) src(%dma_wait3A_34 : memref<79x128xi32, #tpu.memory_space<hbm>>) dst(%arg10 : memref<79x128xi32, #tpu.memory_space<vmem>>)
    %barrier3A = arith.constant 0 : index
    tpu.barrier barrier_id(%barrier3A)
    %eq3A = arith.constant 0 : i32
    %eq3A_35 = arith.cmpi eq, %arg0, %eq3A : i32
    %convert_element_type3A = arith.extui %eq3A_35 : i1 to i32
    %cond3A = arith.constant 0 : i32
    %cond3A_36 = arith.cmpi ne, %convert_element_type3A, %cond3A : i32
    scf.if %cond3A_36 {
      %scan3A = arith.constant 0 : i32
      %scan3A_53 = arith.constant 0 : i32
      %scan3A_54 = arith.constant 79 : i32
      %scan3A_55 = arith.addi %scan3A_53, %scan3A_54 : i32
      %scan3A_56 = arith.constant 1 : i32
      scf.for %scan3A_58 = %scan3A_53 to %scan3A_55 step %scan3A_56  : i32 {
        "tpu.region"() ({
          %run_scoped3A = tpu.sem_alloc : memref<!tpu.dma_semaphore, #tpu.memory_space<semaphore_mem>>
          %dma_start3A_59 = arith.constant 0 : i32
          %dma_start3A_60 = tpu.memref_slice %arg9[%scan3A_58, %dma_start3A_59] : memref<79x128xi32, #tpu.memory_space<vmem>> -> memref<1x128xi32, #tpu.memory_space<vmem>>
          %dma_start3A_61 = tpu.memref_squeeze %dma_start3A_60 : memref<1x128xi32, #tpu.memory_space<vmem>> -> memref<128xi32, #tpu.memory_space<vmem>>
          %dma_start3A_62 = arith.constant 0 : i32
          %dma_start3A_63 = arith.constant 0 : i32
          %dma_start3A_64 = tpu.memref_slice %arg2[%dma_start3A_62, %dma_start3A_63] : memref<10240x128xf32, #tpu.memory_space<hbm>> -> memref<10240x128xf32, #tpu.memory_space<hbm>>
          tpu.enqueue_indirect_dma source(%dma_start3A_64 : memref<10240x128xf32, #tpu.memory_space<hbm>>) target(%arg11 : memref<128x128xf32, #tpu.memory_space<vmem>>) offsets(%dma_start3A_61 : memref<128xi32, #tpu.memory_space<vmem>>) semaphore(%run_scoped3A : memref<!tpu.dma_semaphore, #tpu.memory_space<semaphore_mem>>)
          %dma_wait3A_65 = arith.constant 0 : i32
          %dma_wait3A_66 = tpu.memref_slice %arg9[%scan3A_58, %dma_wait3A_65] : memref<79x128xi32, #tpu.memory_space<vmem>> -> memref<1x128xi32, #tpu.memory_space<vmem>>
          %dma_wait3A_67 = tpu.memref_squeeze %dma_wait3A_66 : memref<1x128xi32, #tpu.memory_space<vmem>> -> memref<128xi32, #tpu.memory_space<vmem>>
          %dma_wait3A_68 = arith.constant 0 : i32
          %dma_wait3A_69 = arith.constant 0 : i32
          %dma_wait3A_70 = tpu.memref_slice %arg2[%dma_wait3A_68, %dma_wait3A_69] : memref<10240x128xf32, #tpu.memory_space<hbm>> -> memref<10240x128xf32, #tpu.memory_space<hbm>>
          tpu.wait_indirect_dma semaphore(%run_scoped3A : memref<!tpu.dma_semaphore, #tpu.memory_space<semaphore_mem>>) src(%dma_wait3A_70 : memref<10240x128xf32, #tpu.memory_space<hbm>>) dst(%arg11 : memref<128x128xf32, #tpu.memory_space<vmem>>)
          tpu.yield
        }) : () -> ()
        "tpu.region"() ({
          %run_scoped3A = tpu.sem_alloc : memref<!tpu.dma_semaphore, #tpu.memory_space<semaphore_mem>>
          %dma_start3A_59 = arith.constant 0 : i32
          %dma_start3A_60 = tpu.memref_slice %arg10[%scan3A_58, %dma_start3A_59] : memref<79x128xi32, #tpu.memory_space<vmem>> -> memref<1x128xi32, #tpu.memory_space<vmem>>
          %dma_start3A_61 = tpu.memref_squeeze %dma_start3A_60 : memref<1x128xi32, #tpu.memory_space<vmem>> -> memref<128xi32, #tpu.memory_space<vmem>>
          %dma_start3A_62 = arith.constant 0 : i32
          %dma_start3A_63 = arith.constant 0 : i32
          %dma_start3A_64 = tpu.memref_slice %arg12[%dma_start3A_62, %dma_start3A_63] : memref<10240x128xf32, #tpu.memory_space<vmem_shared>> -> memref<10240x128xf32, #tpu.memory_space<vmem_shared>>
          tpu.enqueue_indirect_dma source(%arg11 : memref<128x128xf32, #tpu.memory_space<vmem>>) target(%dma_start3A_64 : memref<10240x128xf32, #tpu.memory_space<vmem_shared>>) offsets(%dma_start3A_61 : memref<128xi32, #tpu.memory_space<vmem>>) semaphore(%run_scoped3A : memref<!tpu.dma_semaphore, #tpu.memory_space<semaphore_mem>>) {add = true}
          %dma_wait3A_65 = arith.constant 0 : i32
          %dma_wait3A_66 = tpu.memref_slice %arg10[%scan3A_58, %dma_wait3A_65] : memref<79x128xi32, #tpu.memory_space<vmem>> -> memref<1x128xi32, #tpu.memory_space<vmem>>
          %dma_wait3A_67 = tpu.memref_squeeze %dma_wait3A_66 : memref<1x128xi32, #tpu.memory_space<vmem>> -> memref<128xi32, #tpu.memory_space<vmem>>
          %dma_wait3A_68 = arith.constant 0 : i32
          %dma_wait3A_69 = arith.constant 0 : i32
          %dma_wait3A_70 = tpu.memref_slice %arg12[%dma_wait3A_68, %dma_wait3A_69] : memref<10240x128xf32, #tpu.memory_space<vmem_shared>> -> memref<10240x128xf32, #tpu.memory_space<vmem_shared>>
          tpu.wait_indirect_dma semaphore(%run_scoped3A : memref<!tpu.dma_semaphore, #tpu.memory_space<semaphore_mem>>) src(%arg11 : memref<128x128xf32, #tpu.memory_space<vmem>>) dst(%dma_wait3A_70 : memref<10240x128xf32, #tpu.memory_space<vmem_shared>>)
          tpu.yield
        }) : () -> ()
      }
      %scan3A_57 = arith.constant 79 : i32
    } else {
    }
    %eq3A_37 = arith.constant 1 : i32
    %eq3A_38 = arith.cmpi eq, %arg0, %eq3A_37 : i32
    %convert_element_type3A_39 = arith.extui %eq3A_38 : i1 to i32
    %cond3A_40 = arith.constant 0 : i32
    %cond3A_41 = arith.cmpi ne, %convert_element_type3A_39, %cond3A_40 : i32
    scf.if %cond3A_41 {
      %scan3A = arith.constant 0 : i32
      %scan3A_53 = arith.constant 0 : i32
      %scan3A_54 = arith.constant 79 : i32
      %scan3A_55 = arith.addi %scan3A_53, %scan3A_54 : i32
      %scan3A_56 = arith.constant 1 : i32
      scf.for %scan3A_58 = %scan3A_53 to %scan3A_55 step %scan3A_56  : i32 {
        "tpu.region"() ({
          %run_scoped3A = tpu.sem_alloc : memref<!tpu.dma_semaphore, #tpu.memory_space<semaphore_mem>>
          %dma_start3A_59 = arith.constant 0 : i32
          %dma_start3A_60 = tpu.memref_slice %arg9[%scan3A_58, %dma_start3A_59] : memref<79x128xi32, #tpu.memory_space<vmem>> -> memref<1x128xi32, #tpu.memory_space<vmem>>
          %dma_start3A_61 = tpu.memref_squeeze %dma_start3A_60 : memref<1x128xi32, #tpu.memory_space<vmem>> -> memref<128xi32, #tpu.memory_space<vmem>>
          %dma_start3A_62 = arith.constant 0 : i32
          %dma_start3A_63 = arith.constant 0 : i32
          %dma_start3A_64 = tpu.memref_slice %arg3[%dma_start3A_62, %dma_start3A_63] : memref<10240x128xf32, #tpu.memory_space<hbm>> -> memref<10240x128xf32, #tpu.memory_space<hbm>>
          tpu.enqueue_indirect_dma source(%dma_start3A_64 : memref<10240x128xf32, #tpu.memory_space<hbm>>) target(%arg11 : memref<128x128xf32, #tpu.memory_space<vmem>>) offsets(%dma_start3A_61 : memref<128xi32, #tpu.memory_space<vmem>>) semaphore(%run_scoped3A : memref<!tpu.dma_semaphore, #tpu.memory_space<semaphore_mem>>)
          %dma_wait3A_65 = arith.constant 0 : i32
          %dma_wait3A_66 = tpu.memref_slice %arg9[%scan3A_58, %dma_wait3A_65] : memref<79x128xi32, #tpu.memory_space<vmem>> -> memref<1x128xi32, #tpu.memory_space<vmem>>
          %dma_wait3A_67 = tpu.memref_squeeze %dma_wait3A_66 : memref<1x128xi32, #tpu.memory_space<vmem>> -> memref<128xi32, #tpu.memory_space<vmem>>
          %dma_wait3A_68 = arith.constant 0 : i32
          %dma_wait3A_69 = arith.constant 0 : i32
          %dma_wait3A_70 = tpu.memref_slice %arg3[%dma_wait3A_68, %dma_wait3A_69] : memref<10240x128xf32, #tpu.memory_space<hbm>> -> memref<10240x128xf32, #tpu.memory_space<hbm>>
          tpu.wait_indirect_dma semaphore(%run_scoped3A : memref<!tpu.dma_semaphore, #tpu.memory_space<semaphore_mem>>) src(%dma_wait3A_70 : memref<10240x128xf32, #tpu.memory_space<hbm>>) dst(%arg11 : memref<128x128xf32, #tpu.memory_space<vmem>>)
          tpu.yield
        }) : () -> ()
        "tpu.region"() ({
          %run_scoped3A = tpu.sem_alloc : memref<!tpu.dma_semaphore, #tpu.memory_space<semaphore_mem>>
          %dma_start3A_59 = arith.constant 0 : i32
          %dma_start3A_60 = tpu.memref_slice %arg10[%scan3A_58, %dma_start3A_59] : memref<79x128xi32, #tpu.memory_space<vmem>> -> memref<1x128xi32, #tpu.memory_space<vmem>>
          %dma_start3A_61 = tpu.memref_squeeze %dma_start3A_60 : memref<1x128xi32, #tpu.memory_space<vmem>> -> memref<128xi32, #tpu.memory_space<vmem>>
          %dma_start3A_62 = arith.constant 0 : i32
          %dma_start3A_63 = arith.constant 0 : i32
          %dma_start3A_64 = tpu.memref_slice %arg12[%dma_start3A_62, %dma_start3A_63] : memref<10240x128xf32, #tpu.memory_space<vmem_shared>> -> memref<10240x128xf32, #tpu.memory_space<vmem_shared>>
          tpu.enqueue_indirect_dma source(%arg11 : memref<128x128xf32, #tpu.memory_space<vmem>>) target(%dma_start3A_64 : memref<10240x128xf32, #tpu.memory_space<vmem_shared>>) offsets(%dma_start3A_61 : memref<128xi32, #tpu.memory_space<vmem>>) semaphore(%run_scoped3A : memref<!tpu.dma_semaphore, #tpu.memory_space<semaphore_mem>>) {add = true}
          %dma_wait3A_65 = arith.constant 0 : i32
          %dma_wait3A_66 = tpu.memref_slice %arg10[%scan3A_58, %dma_wait3A_65] : memref<79x128xi32, #tpu.memory_space<vmem>> -> memref<1x128xi32, #tpu.memory_space<vmem>>
          %dma_wait3A_67 = tpu.memref_squeeze %dma_wait3A_66 : memref<1x128xi32, #tpu.memory_space<vmem>> -> memref<128xi32, #tpu.memory_space<vmem>>
          %dma_wait3A_68 = arith.constant 0 : i32
          %dma_wait3A_69 = arith.constant 0 : i32
          %dma_wait3A_70 = tpu.memref_slice %arg12[%dma_wait3A_68, %dma_wait3A_69] : memref<10240x128xf32, #tpu.memory_space<vmem_shared>> -> memref<10240x128xf32, #tpu.memory_space<vmem_shared>>
          tpu.wait_indirect_dma semaphore(%run_scoped3A : memref<!tpu.dma_semaphore, #tpu.memory_space<semaphore_mem>>) src(%arg11 : memref<128x128xf32, #tpu.memory_space<vmem>>) dst(%dma_wait3A_70 : memref<10240x128xf32, #tpu.memory_space<vmem_shared>>)
          tpu.yield
        }) : () -> ()
      }
      %scan3A_57 = arith.constant 79 : i32
    } else {
    }
    %barrier3A_42 = arith.constant 0 : index
    tpu.barrier barrier_id(%barrier3A_42)
    %eq3A_43 = arith.constant 0 : i32
    %eq3A_44 = arith.cmpi eq, %arg0, %eq3A_43 : i32
    %convert_element_type3A_45 = arith.extui %eq3A_44 : i1 to i32
    %cond3A_46 = arith.constant 0 : i32
    %cond3A_47 = arith.cmpi ne, %convert_element_type3A_45, %cond3A_46 : i32
    scf.if %cond3A_47 {
      %mul3A_53 = arith.constant 640 : i32
      %mul3A_54 = arith.muli %arg1, %mul3A_53 : i32
      %mul3A_55 = arith.constant 640 : i32
      %mul3A_56 = arith.muli %arg1, %mul3A_55 : i32
      "tpu.region"() ({
        %run_scoped3A = tpu.sem_alloc : memref<!tpu.dma_semaphore, #tpu.memory_space<semaphore_mem>>
        %dma_start3A_57 = arith.constant 0 : i32
        %dma_start3A_58 = tpu.memref_slice %arg7[%mul3A_56, %dma_start3A_57] : memref<10240x128xf32, #tpu.memory_space<hbm>> -> memref<640x128xf32, #tpu.memory_space<hbm>>
        %dma_start3A_59 = arith.constant 0 : i32
        %dma_start3A_60 = tpu.memref_slice %arg12[%mul3A_54, %dma_start3A_59] : memref<10240x128xf32, #tpu.memory_space<vmem_shared>> -> memref<640x128xf32, #tpu.memory_space<vmem_shared>>
        tpu.enqueue_dma source(%dma_start3A_60 : memref<640x128xf32, #tpu.memory_space<vmem_shared>>) target(%dma_start3A_58 : memref<640x128xf32, #tpu.memory_space<hbm>>) target_semaphore(%run_scoped3A : memref<!tpu.dma_semaphore, #tpu.memory_space<semaphore_mem>>)
        %dma_wait3A_61 = arith.constant 0 : i32
        %dma_wait3A_62 = tpu.memref_slice %arg7[%mul3A_56, %dma_wait3A_61] : memref<10240x128xf32, #tpu.memory_space<hbm>> -> memref<640x128xf32, #tpu.memory_space<hbm>>
        %dma_wait3A_63 = arith.constant 0 : i32
        %dma_wait3A_64 = tpu.memref_slice %arg12[%mul3A_54, %dma_wait3A_63] : memref<10240x128xf32, #tpu.memory_space<vmem_shared>> -> memref<640x128xf32, #tpu.memory_space<vmem_shared>>
        tpu.wait_dma2 semaphore(%run_scoped3A : memref<!tpu.dma_semaphore, #tpu.memory_space<semaphore_mem>>) src(%dma_wait3A_64 : memref<640x128xf32, #tpu.memory_space<vmem_shared>>) dst(%dma_wait3A_62 : memref<640x128xf32, #tpu.memory_space<hbm>>)
        tpu.yield
      }) : () -> ()
    } else {
    }
    %eq3A_48 = arith.constant 1 : i32
    %eq3A_49 = arith.cmpi eq, %arg0, %eq3A_48 : i32
    %convert_element_type3A_50 = arith.extui %eq3A_49 : i1 to i32
    %cond3A_51 = arith.constant 0 : i32
    %cond3A_52 = arith.cmpi ne, %convert_element_type3A_50, %cond3A_51 : i32
    scf.if %cond3A_52 {
      %mul3A_53 = arith.constant 640 : i32
      %mul3A_54 = arith.muli %arg1, %mul3A_53 : i32
      %mul3A_55 = arith.constant 640 : i32
      %mul3A_56 = arith.muli %arg1, %mul3A_55 : i32
      "tpu.region"() ({
        %run_scoped3A = tpu.sem_alloc : memref<!tpu.dma_semaphore, #tpu.memory_space<semaphore_mem>>
        %dma_start3A_57 = arith.constant 0 : i32
        %dma_start3A_58 = tpu.memref_slice %arg8[%mul3A_56, %dma_start3A_57] : memref<10240x128xf32, #tpu.memory_space<hbm>> -> memref<640x128xf32, #tpu.memory_space<hbm>>
        %dma_start3A_59 = arith.constant 0 : i32
        %dma_start3A_60 = tpu.memref_slice %arg12[%mul3A_54, %dma_start3A_59] : memref<10240x128xf32, #tpu.memory_space<vmem_shared>> -> memref<640x128xf32, #tpu.memory_space<vmem_shared>>
        tpu.enqueue_dma source(%dma_start3A_60 : memref<640x128xf32, #tpu.memory_space<vmem_shared>>) target(%dma_start3A_58 : memref<640x128xf32, #tpu.memory_space<hbm>>) target_semaphore(%run_scoped3A : memref<!tpu.dma_semaphore, #tpu.memory_space<semaphore_mem>>)
        %dma_wait3A_61 = arith.constant 0 : i32
        %dma_wait3A_62 = tpu.memref_slice %arg8[%mul3A_56, %dma_wait3A_61] : memref<10240x128xf32, #tpu.memory_space<hbm>> -> memref<640x128xf32, #tpu.memory_space<hbm>>
        %dma_wait3A_63 = arith.constant 0 : i32
        %dma_wait3A_64 = tpu.memref_slice %arg12[%mul3A_54, %dma_wait3A_63] : memref<10240x128xf32, #tpu.memory_space<vmem_shared>> -> memref<640x128xf32, #tpu.memory_space<vmem_shared>>
        tpu.wait_dma2 semaphore(%run_scoped3A : memref<!tpu.dma_semaphore, #tpu.memory_space<semaphore_mem>>) src(%dma_wait3A_64 : memref<640x128xf32, #tpu.memory_space<vmem_shared>>) dst(%dma_wait3A_62 : memref<640x128xf32, #tpu.memory_space<hbm>>)
        tpu.yield
      }) : () -> ()
    } else {
    }
    return
  }
}

#map = affine_map<(d0, d1) -> (0, 0)>
#map1 = affine_map<(d0, d1) -> (0, 0, 0)>
module attributes {stable_mosaic.version = 14 : i64} {
  func.func @_sc_edge_agg(%arg0: i32, %arg1: i32, %arg2: memref<10240x128xf32, #tpu.memory_space<hbm>>, %arg3: memref<10240x128xf32, #tpu.memory_space<hbm>>, %arg4: memref<16x79x128xi32, #tpu.memory_space<hbm>>, %arg5: memref<16x79x128xi32, #tpu.memory_space<hbm>>, %arg6: memref<640x128xf32, #tpu.memory_space<hbm>>, %arg7: memref<10240x128xf32, #tpu.memory_space<hbm>>, %arg8: memref<10240x128xf32, #tpu.memory_space<hbm>>, %arg9: memref<79x128xi32, #tpu.memory_space<vmem>>, %arg10: memref<79x128xi32, #tpu.memory_space<vmem>>, %arg11: memref<128x128xf32, #tpu.memory_space<vmem>>, %arg12: memref<10240x128xf32, #tpu.memory_space<vmem_shared>>, %arg13: memref<!tpu.dma_semaphore, #tpu.memory_space<semaphore_mem>>) attributes {dimension_semantics = [#tpu.dimension_semantics<core_parallel>, #tpu.dimension_semantics<subcore_parallel>], iteration_bounds = array<i64: 2, 16>, scalar_prefetch = 0 : i64, scratch_operands = 5 : i64, tpu.core_type = #tpu.core_type<sc_vector_subcore>, window_params = [{transform_indices = #map}, {transform_indices = #map}, {transform_indices = #map1}, {transform_indices = #map1}, {transform_indices = #map}, {transform_indices = #map}, {transform_indices = #map}]} {
    %mul3A = arith.constant 640 : i32
    %mul3A_0 = arith.muli %arg1, %mul3A : i32
    %dma_start3A = arith.constant 0 : i32
    %dma_start3A_1 = tpu.memref_slice %arg12[%mul3A_0, %dma_start3A] : memref<10240x128xf32, #tpu.memory_space<vmem_shared>> -> memref<640x128xf32, #tpu.memory_space<vmem_shared>>
    tpu.enqueue_dma source(%arg6 : memref<640x128xf32, #tpu.memory_space<hbm>>) target(%dma_start3A_1 : memref<640x128xf32, #tpu.memory_space<vmem_shared>>) target_semaphore(%arg13 : memref<!tpu.dma_semaphore, #tpu.memory_space<semaphore_mem>>)
    %dma_start3A_2 = arith.constant 0 : i32
    %dma_start3A_3 = arith.constant 0 : i32
    %dma_start3A_4 = tpu.memref_slice %arg4[%arg1, %dma_start3A_2, %dma_start3A_3] : memref<16x79x128xi32, #tpu.memory_space<hbm>> -> memref<1x79x128xi32, #tpu.memory_space<hbm>>
    %dma_start3A_5 = tpu.memref_squeeze %dma_start3A_4 : memref<1x79x128xi32, #tpu.memory_space<hbm>> -> memref<79x128xi32, #tpu.memory_space<hbm>>
    %dma_start3A_6 = arith.constant 0 : i32
    %dma_start3A_7 = arith.constant 0 : i32
    %dma_start3A_8 = tpu.memref_slice %arg4[%arg1, %dma_start3A_6, %dma_start3A_7] : memref<16x79x128xi32, #tpu.memory_space<hbm>> -> memref<1x79x128xi32, #tpu.memory_space<hbm>>
    %dma_start3A_9 = tpu.memref_squeeze %dma_start3A_8 : memref<1x79x128xi32, #tpu.memory_space<hbm>> -> memref<79x128xi32, #tpu.memory_space<hbm>>
    tpu.enqueue_dma source(%dma_start3A_9 : memref<79x128xi32, #tpu.memory_space<hbm>>) target(%arg9 : memref<79x128xi32, #tpu.memory_space<vmem>>) target_semaphore(%arg13 : memref<!tpu.dma_semaphore, #tpu.memory_space<semaphore_mem>>)
    %dma_start3A_10 = arith.constant 0 : i32
    %dma_start3A_11 = arith.constant 0 : i32
    %dma_start3A_12 = tpu.memref_slice %arg5[%arg1, %dma_start3A_10, %dma_start3A_11] : memref<16x79x128xi32, #tpu.memory_space<hbm>> -> memref<1x79x128xi32, #tpu.memory_space<hbm>>
    %dma_start3A_13 = tpu.memref_squeeze %dma_start3A_12 : memref<1x79x128xi32, #tpu.memory_space<hbm>> -> memref<79x128xi32, #tpu.memory_space<hbm>>
    %dma_start3A_14 = arith.constant 0 : i32
    %dma_start3A_15 = arith.constant 0 : i32
    %dma_start3A_16 = tpu.memref_slice %arg5[%arg1, %dma_start3A_14, %dma_start3A_15] : memref<16x79x128xi32, #tpu.memory_space<hbm>> -> memref<1x79x128xi32, #tpu.memory_space<hbm>>
    %dma_start3A_17 = tpu.memref_squeeze %dma_start3A_16 : memref<1x79x128xi32, #tpu.memory_space<hbm>> -> memref<79x128xi32, #tpu.memory_space<hbm>>
    tpu.enqueue_dma source(%dma_start3A_17 : memref<79x128xi32, #tpu.memory_space<hbm>>) target(%arg10 : memref<79x128xi32, #tpu.memory_space<vmem>>) target_semaphore(%arg13 : memref<!tpu.dma_semaphore, #tpu.memory_space<semaphore_mem>>)
    %dma_wait3A = arith.constant 0 : i32
    %dma_wait3A_18 = tpu.memref_slice %arg12[%mul3A_0, %dma_wait3A] : memref<10240x128xf32, #tpu.memory_space<vmem_shared>> -> memref<640x128xf32, #tpu.memory_space<vmem_shared>>
    tpu.wait_dma2 semaphore(%arg13 : memref<!tpu.dma_semaphore, #tpu.memory_space<semaphore_mem>>) src(%arg6 : memref<640x128xf32, #tpu.memory_space<hbm>>) dst(%dma_wait3A_18 : memref<640x128xf32, #tpu.memory_space<vmem_shared>>)
    %dma_wait3A_19 = arith.constant 0 : i32
    %dma_wait3A_20 = arith.constant 0 : i32
    %dma_wait3A_21 = tpu.memref_slice %arg4[%arg1, %dma_wait3A_19, %dma_wait3A_20] : memref<16x79x128xi32, #tpu.memory_space<hbm>> -> memref<1x79x128xi32, #tpu.memory_space<hbm>>
    %dma_wait3A_22 = tpu.memref_squeeze %dma_wait3A_21 : memref<1x79x128xi32, #tpu.memory_space<hbm>> -> memref<79x128xi32, #tpu.memory_space<hbm>>
    %dma_wait3A_23 = arith.constant 0 : i32
    %dma_wait3A_24 = arith.constant 0 : i32
    %dma_wait3A_25 = tpu.memref_slice %arg4[%arg1, %dma_wait3A_23, %dma_wait3A_24] : memref<16x79x128xi32, #tpu.memory_space<hbm>> -> memref<1x79x128xi32, #tpu.memory_space<hbm>>
    %dma_wait3A_26 = tpu.memref_squeeze %dma_wait3A_25 : memref<1x79x128xi32, #tpu.memory_space<hbm>> -> memref<79x128xi32, #tpu.memory_space<hbm>>
    tpu.wait_dma2 semaphore(%arg13 : memref<!tpu.dma_semaphore, #tpu.memory_space<semaphore_mem>>) src(%dma_wait3A_26 : memref<79x128xi32, #tpu.memory_space<hbm>>) dst(%arg9 : memref<79x128xi32, #tpu.memory_space<vmem>>)
    %dma_wait3A_27 = arith.constant 0 : i32
    %dma_wait3A_28 = arith.constant 0 : i32
    %dma_wait3A_29 = tpu.memref_slice %arg5[%arg1, %dma_wait3A_27, %dma_wait3A_28] : memref<16x79x128xi32, #tpu.memory_space<hbm>> -> memref<1x79x128xi32, #tpu.memory_space<hbm>>
    %dma_wait3A_30 = tpu.memref_squeeze %dma_wait3A_29 : memref<1x79x128xi32, #tpu.memory_space<hbm>> -> memref<79x128xi32, #tpu.memory_space<hbm>>
    %dma_wait3A_31 = arith.constant 0 : i32
    %dma_wait3A_32 = arith.constant 0 : i32
    %dma_wait3A_33 = tpu.memref_slice %arg5[%arg1, %dma_wait3A_31, %dma_wait3A_32] : memref<16x79x128xi32, #tpu.memory_space<hbm>> -> memref<1x79x128xi32, #tpu.memory_space<hbm>>
    %dma_wait3A_34 = tpu.memref_squeeze %dma_wait3A_33 : memref<1x79x128xi32, #tpu.memory_space<hbm>> -> memref<79x128xi32, #tpu.memory_space<hbm>>
    tpu.wait_dma2 semaphore(%arg13 : memref<!tpu.dma_semaphore, #tpu.memory_space<semaphore_mem>>) src(%dma_wait3A_34 : memref<79x128xi32, #tpu.memory_space<hbm>>) dst(%arg10 : memref<79x128xi32, #tpu.memory_space<vmem>>)
    %barrier3A = arith.constant 0 : index
    tpu.barrier barrier_id(%barrier3A)
    %eq3A = arith.constant 0 : i32
    %eq3A_35 = arith.cmpi eq, %arg0, %eq3A : i32
    %convert_element_type3A = arith.extui %eq3A_35 : i1 to i32
    %cond3A = arith.constant 0 : i32
    %cond3A_36 = arith.cmpi ne, %convert_element_type3A, %cond3A : i32
    scf.if %cond3A_36 {
      %scan3A = arith.constant 0 : i32
      %scan3A_53 = arith.constant 0 : i32
      %scan3A_54 = arith.constant 79 : i32
      %scan3A_55 = arith.addi %scan3A_53, %scan3A_54 : i32
      %scan3A_56 = arith.constant 1 : i32
      scf.for %scan3A_58 = %scan3A_53 to %scan3A_55 step %scan3A_56  : i32 {
        "tpu.region"() ({
          %run_scoped3A = tpu.sem_alloc : memref<!tpu.dma_semaphore, #tpu.memory_space<semaphore_mem>>
          %dma_start3A_59 = arith.constant 0 : i32
          %dma_start3A_60 = tpu.memref_slice %arg9[%scan3A_58, %dma_start3A_59] : memref<79x128xi32, #tpu.memory_space<vmem>> -> memref<1x128xi32, #tpu.memory_space<vmem>>
          %dma_start3A_61 = tpu.memref_squeeze %dma_start3A_60 : memref<1x128xi32, #tpu.memory_space<vmem>> -> memref<128xi32, #tpu.memory_space<vmem>>
          %dma_start3A_62 = arith.constant 0 : i32
          %dma_start3A_63 = arith.constant 0 : i32
          %dma_start3A_64 = tpu.memref_slice %arg2[%dma_start3A_62, %dma_start3A_63] : memref<10240x128xf32, #tpu.memory_space<hbm>> -> memref<10240x128xf32, #tpu.memory_space<hbm>>
          tpu.enqueue_indirect_dma source(%dma_start3A_64 : memref<10240x128xf32, #tpu.memory_space<hbm>>) target(%arg11 : memref<128x128xf32, #tpu.memory_space<vmem>>) offsets(%dma_start3A_61 : memref<128xi32, #tpu.memory_space<vmem>>) semaphore(%run_scoped3A : memref<!tpu.dma_semaphore, #tpu.memory_space<semaphore_mem>>)
          %dma_wait3A_65 = arith.constant 0 : i32
          %dma_wait3A_66 = tpu.memref_slice %arg9[%scan3A_58, %dma_wait3A_65] : memref<79x128xi32, #tpu.memory_space<vmem>> -> memref<1x128xi32, #tpu.memory_space<vmem>>
          %dma_wait3A_67 = tpu.memref_squeeze %dma_wait3A_66 : memref<1x128xi32, #tpu.memory_space<vmem>> -> memref<128xi32, #tpu.memory_space<vmem>>
          %dma_wait3A_68 = arith.constant 0 : i32
          %dma_wait3A_69 = arith.constant 0 : i32
          %dma_wait3A_70 = tpu.memref_slice %arg2[%dma_wait3A_68, %dma_wait3A_69] : memref<10240x128xf32, #tpu.memory_space<hbm>> -> memref<10240x128xf32, #tpu.memory_space<hbm>>
          tpu.wait_indirect_dma semaphore(%run_scoped3A : memref<!tpu.dma_semaphore, #tpu.memory_space<semaphore_mem>>) src(%dma_wait3A_70 : memref<10240x128xf32, #tpu.memory_space<hbm>>) dst(%arg11 : memref<128x128xf32, #tpu.memory_space<vmem>>)
          tpu.yield
        }) : () -> ()
        "tpu.region"() ({
          %run_scoped3A = tpu.sem_alloc : memref<!tpu.dma_semaphore, #tpu.memory_space<semaphore_mem>>
          %dma_start3A_59 = arith.constant 0 : i32
          %dma_start3A_60 = tpu.memref_slice %arg10[%scan3A_58, %dma_start3A_59] : memref<79x128xi32, #tpu.memory_space<vmem>> -> memref<1x128xi32, #tpu.memory_space<vmem>>
          %dma_start3A_61 = tpu.memref_squeeze %dma_start3A_60 : memref<1x128xi32, #tpu.memory_space<vmem>> -> memref<128xi32, #tpu.memory_space<vmem>>
          %dma_start3A_62 = arith.constant 0 : i32
          %dma_start3A_63 = arith.constant 0 : i32
          %dma_start3A_64 = tpu.memref_slice %arg12[%dma_start3A_62, %dma_start3A_63] : memref<10240x128xf32, #tpu.memory_space<vmem_shared>> -> memref<10240x128xf32, #tpu.memory_space<vmem_shared>>
          tpu.enqueue_indirect_dma source(%arg11 : memref<128x128xf32, #tpu.memory_space<vmem>>) target(%dma_start3A_64 : memref<10240x128xf32, #tpu.memory_space<vmem_shared>>) offsets(%dma_start3A_61 : memref<128xi32, #tpu.memory_space<vmem>>) semaphore(%run_scoped3A : memref<!tpu.dma_semaphore, #tpu.memory_space<semaphore_mem>>) {add = true}
          %dma_wait3A_65 = arith.constant 0 : i32
          %dma_wait3A_66 = tpu.memref_slice %arg10[%scan3A_58, %dma_wait3A_65] : memref<79x128xi32, #tpu.memory_space<vmem>> -> memref<1x128xi32, #tpu.memory_space<vmem>>
          %dma_wait3A_67 = tpu.memref_squeeze %dma_wait3A_66 : memref<1x128xi32, #tpu.memory_space<vmem>> -> memref<128xi32, #tpu.memory_space<vmem>>
          %dma_wait3A_68 = arith.constant 0 : i32
          %dma_wait3A_69 = arith.constant 0 : i32
          %dma_wait3A_70 = tpu.memref_slice %arg12[%dma_wait3A_68, %dma_wait3A_69] : memref<10240x128xf32, #tpu.memory_space<vmem_shared>> -> memref<10240x128xf32, #tpu.memory_space<vmem_shared>>
          tpu.wait_indirect_dma semaphore(%run_scoped3A : memref<!tpu.dma_semaphore, #tpu.memory_space<semaphore_mem>>) src(%arg11 : memref<128x128xf32, #tpu.memory_space<vmem>>) dst(%dma_wait3A_70 : memref<10240x128xf32, #tpu.memory_space<vmem_shared>>)
          tpu.yield
        }) : () -> ()
      }
      %scan3A_57 = arith.constant 79 : i32
    } else {
    }
    %eq3A_37 = arith.constant 1 : i32
    %eq3A_38 = arith.cmpi eq, %arg0, %eq3A_37 : i32
    %convert_element_type3A_39 = arith.extui %eq3A_38 : i1 to i32
    %cond3A_40 = arith.constant 0 : i32
    %cond3A_41 = arith.cmpi ne, %convert_element_type3A_39, %cond3A_40 : i32
    scf.if %cond3A_41 {
      %scan3A = arith.constant 0 : i32
      %scan3A_53 = arith.constant 0 : i32
      %scan3A_54 = arith.constant 79 : i32
      %scan3A_55 = arith.addi %scan3A_53, %scan3A_54 : i32
      %scan3A_56 = arith.constant 1 : i32
      scf.for %scan3A_58 = %scan3A_53 to %scan3A_55 step %scan3A_56  : i32 {
        "tpu.region"() ({
          %run_scoped3A = tpu.sem_alloc : memref<!tpu.dma_semaphore, #tpu.memory_space<semaphore_mem>>
          %dma_start3A_59 = arith.constant 0 : i32
          %dma_start3A_60 = tpu.memref_slice %arg9[%scan3A_58, %dma_start3A_59] : memref<79x128xi32, #tpu.memory_space<vmem>> -> memref<1x128xi32, #tpu.memory_space<vmem>>
          %dma_start3A_61 = tpu.memref_squeeze %dma_start3A_60 : memref<1x128xi32, #tpu.memory_space<vmem>> -> memref<128xi32, #tpu.memory_space<vmem>>
          %dma_start3A_62 = arith.constant 0 : i32
          %dma_start3A_63 = arith.constant 0 : i32
          %dma_start3A_64 = tpu.memref_slice %arg3[%dma_start3A_62, %dma_start3A_63] : memref<10240x128xf32, #tpu.memory_space<hbm>> -> memref<10240x128xf32, #tpu.memory_space<hbm>>
          tpu.enqueue_indirect_dma source(%dma_start3A_64 : memref<10240x128xf32, #tpu.memory_space<hbm>>) target(%arg11 : memref<128x128xf32, #tpu.memory_space<vmem>>) offsets(%dma_start3A_61 : memref<128xi32, #tpu.memory_space<vmem>>) semaphore(%run_scoped3A : memref<!tpu.dma_semaphore, #tpu.memory_space<semaphore_mem>>)
          %dma_wait3A_65 = arith.constant 0 : i32
          %dma_wait3A_66 = tpu.memref_slice %arg9[%scan3A_58, %dma_wait3A_65] : memref<79x128xi32, #tpu.memory_space<vmem>> -> memref<1x128xi32, #tpu.memory_space<vmem>>
          %dma_wait3A_67 = tpu.memref_squeeze %dma_wait3A_66 : memref<1x128xi32, #tpu.memory_space<vmem>> -> memref<128xi32, #tpu.memory_space<vmem>>
          %dma_wait3A_68 = arith.constant 0 : i32
          %dma_wait3A_69 = arith.constant 0 : i32
          %dma_wait3A_70 = tpu.memref_slice %arg3[%dma_wait3A_68, %dma_wait3A_69] : memref<10240x128xf32, #tpu.memory_space<hbm>> -> memref<10240x128xf32, #tpu.memory_space<hbm>>
          tpu.wait_indirect_dma semaphore(%run_scoped3A : memref<!tpu.dma_semaphore, #tpu.memory_space<semaphore_mem>>) src(%dma_wait3A_70 : memref<10240x128xf32, #tpu.memory_space<hbm>>) dst(%arg11 : memref<128x128xf32, #tpu.memory_space<vmem>>)
          tpu.yield
        }) : () -> ()
        "tpu.region"() ({
          %run_scoped3A = tpu.sem_alloc : memref<!tpu.dma_semaphore, #tpu.memory_space<semaphore_mem>>
          %dma_start3A_59 = arith.constant 0 : i32
          %dma_start3A_60 = tpu.memref_slice %arg10[%scan3A_58, %dma_start3A_59] : memref<79x128xi32, #tpu.memory_space<vmem>> -> memref<1x128xi32, #tpu.memory_space<vmem>>
          %dma_start3A_61 = tpu.memref_squeeze %dma_start3A_60 : memref<1x128xi32, #tpu.memory_space<vmem>> -> memref<128xi32, #tpu.memory_space<vmem>>
          %dma_start3A_62 = arith.constant 0 : i32
          %dma_start3A_63 = arith.constant 0 : i32
          %dma_start3A_64 = tpu.memref_slice %arg12[%dma_start3A_62, %dma_start3A_63] : memref<10240x128xf32, #tpu.memory_space<vmem_shared>> -> memref<10240x128xf32, #tpu.memory_space<vmem_shared>>
          tpu.enqueue_indirect_dma source(%arg11 : memref<128x128xf32, #tpu.memory_space<vmem>>) target(%dma_start3A_64 : memref<10240x128xf32, #tpu.memory_space<vmem_shared>>) offsets(%dma_start3A_61 : memref<128xi32, #tpu.memory_space<vmem>>) semaphore(%run_scoped3A : memref<!tpu.dma_semaphore, #tpu.memory_space<semaphore_mem>>) {add = true}
          %dma_wait3A_65 = arith.constant 0 : i32
          %dma_wait3A_66 = tpu.memref_slice %arg10[%scan3A_58, %dma_wait3A_65] : memref<79x128xi32, #tpu.memory_space<vmem>> -> memref<1x128xi32, #tpu.memory_space<vmem>>
          %dma_wait3A_67 = tpu.memref_squeeze %dma_wait3A_66 : memref<1x128xi32, #tpu.memory_space<vmem>> -> memref<128xi32, #tpu.memory_space<vmem>>
          %dma_wait3A_68 = arith.constant 0 : i32
          %dma_wait3A_69 = arith.constant 0 : i32
          %dma_wait3A_70 = tpu.memref_slice %arg12[%dma_wait3A_68, %dma_wait3A_69] : memref<10240x128xf32, #tpu.memory_space<vmem_shared>> -> memref<10240x128xf32, #tpu.memory_space<vmem_shared>>
          tpu.wait_indirect_dma semaphore(%run_scoped3A : memref<!tpu.dma_semaphore, #tpu.memory_space<semaphore_mem>>) src(%arg11 : memref<128x128xf32, #tpu.memory_space<vmem>>) dst(%dma_wait3A_70 : memref<10240x128xf32, #tpu.memory_space<vmem_shared>>)
          tpu.yield
        }) : () -> ()
      }
      %scan3A_57 = arith.constant 79 : i32
    } else {
    }
    %barrier3A_42 = arith.constant 0 : index
    tpu.barrier barrier_id(%barrier3A_42)
    %eq3A_43 = arith.constant 0 : i32
    %eq3A_44 = arith.cmpi eq, %arg0, %eq3A_43 : i32
    %convert_element_type3A_45 = arith.extui %eq3A_44 : i1 to i32
    %cond3A_46 = arith.constant 0 : i32
    %cond3A_47 = arith.cmpi ne, %convert_element_type3A_45, %cond3A_46 : i32
    scf.if %cond3A_47 {
      %mul3A_53 = arith.constant 640 : i32
      %mul3A_54 = arith.muli %arg1, %mul3A_53 : i32
      %mul3A_55 = arith.constant 640 : i32
      %mul3A_56 = arith.muli %arg1, %mul3A_55 : i32
      "tpu.region"() ({
        %run_scoped3A = tpu.sem_alloc : memref<!tpu.dma_semaphore, #tpu.memory_space<semaphore_mem>>
        %dma_start3A_57 = arith.constant 0 : i32
        %dma_start3A_58 = tpu.memref_slice %arg7[%mul3A_56, %dma_start3A_57] : memref<10240x128xf32, #tpu.memory_space<hbm>> -> memref<640x128xf32, #tpu.memory_space<hbm>>
        %dma_start3A_59 = arith.constant 0 : i32
        %dma_start3A_60 = tpu.memref_slice %arg12[%mul3A_54, %dma_start3A_59] : memref<10240x128xf32, #tpu.memory_space<vmem_shared>> -> memref<640x128xf32, #tpu.memory_space<vmem_shared>>
        tpu.enqueue_dma source(%dma_start3A_60 : memref<640x128xf32, #tpu.memory_space<vmem_shared>>) target(%dma_start3A_58 : memref<640x128xf32, #tpu.memory_space<hbm>>) target_semaphore(%run_scoped3A : memref<!tpu.dma_semaphore, #tpu.memory_space<semaphore_mem>>)
        %dma_wait3A_61 = arith.constant 0 : i32
        %dma_wait3A_62 = tpu.memref_slice %arg7[%mul3A_56, %dma_wait3A_61] : memref<10240x128xf32, #tpu.memory_space<hbm>> -> memref<640x128xf32, #tpu.memory_space<hbm>>
        %dma_wait3A_63 = arith.constant 0 : i32
        %dma_wait3A_64 = tpu.memref_slice %arg12[%mul3A_54, %dma_wait3A_63] : memref<10240x128xf32, #tpu.memory_space<vmem_shared>> -> memref<640x128xf32, #tpu.memory_space<vmem_shared>>
        tpu.wait_dma2 semaphore(%run_scoped3A : memref<!tpu.dma_semaphore, #tpu.memory_space<semaphore_mem>>) src(%dma_wait3A_64 : memref<640x128xf32, #tpu.memory_space<vmem_shared>>) dst(%dma_wait3A_62 : memref<640x128xf32, #tpu.memory_space<hbm>>)
        tpu.yield
      }) : () -> ()
    } else {
    }
    %eq3A_48 = arith.constant 1 : i32
    %eq3A_49 = arith.cmpi eq, %arg0, %eq3A_48 : i32
    %convert_element_type3A_50 = arith.extui %eq3A_49 : i1 to i32
    %cond3A_51 = arith.constant 0 : i32
    %cond3A_52 = arith.cmpi ne, %convert_element_type3A_50, %cond3A_51 : i32
    scf.if %cond3A_52 {
      %mul3A_53 = arith.constant 640 : i32
      %mul3A_54 = arith.muli %arg1, %mul3A_53 : i32
      %mul3A_55 = arith.constant 640 : i32
      %mul3A_56 = arith.muli %arg1, %mul3A_55 : i32
      "tpu.region"() ({
        %run_scoped3A = tpu.sem_alloc : memref<!tpu.dma_semaphore, #tpu.memory_space<semaphore_mem>>
        %dma_start3A_57 = arith.constant 0 : i32
        %dma_start3A_58 = tpu.memref_slice %arg8[%mul3A_56, %dma_start3A_57] : memref<10240x128xf32, #tpu.memory_space<hbm>> -> memref<640x128xf32, #tpu.memory_space<hbm>>
        %dma_start3A_59 = arith.constant 0 : i32
        %dma_start3A_60 = tpu.memref_slice %arg12[%mul3A_54, %dma_start3A_59] : memref<10240x128xf32, #tpu.memory_space<vmem_shared>> -> memref<640x128xf32, #tpu.memory_space<vmem_shared>>
        tpu.enqueue_dma source(%dma_start3A_60 : memref<640x128xf32, #tpu.memory_space<vmem_shared>>) target(%dma_start3A_58 : memref<640x128xf32, #tpu.memory_space<hbm>>) target_semaphore(%run_scoped3A : memref<!tpu.dma_semaphore, #tpu.memory_space<semaphore_mem>>)
        %dma_wait3A_61 = arith.constant 0 : i32
        %dma_wait3A_62 = tpu.memref_slice %arg8[%mul3A_56, %dma_wait3A_61] : memref<10240x128xf32, #tpu.memory_space<hbm>> -> memref<640x128xf32, #tpu.memory_space<hbm>>
        %dma_wait3A_63 = arith.constant 0 : i32
        %dma_wait3A_64 = tpu.memref_slice %arg12[%mul3A_54, %dma_wait3A_63] : memref<10240x128xf32, #tpu.memory_space<vmem_shared>> -> memref<640x128xf32, #tpu.memory_space<vmem_shared>>
        tpu.wait_dma2 semaphore(%run_scoped3A : memref<!tpu.dma_semaphore, #tpu.memory_space<semaphore_mem>>) src(%dma_wait3A_64 : memref<640x128xf32, #tpu.memory_space<vmem_shared>>) dst(%dma_wait3A_62 : memref<640x128xf32, #tpu.memory_space<hbm>>)
        tpu.yield
      }) : () -> ()
    } else {
    }
    return
  }
}

module attributes {stable_mosaic.version = 14 : i64} {
  func.func @_deg_body(%arg0: i32, %arg1: memref<4000x8xi32, #tpu.memory_space<vmem>>, %arg2: memref<80x128xf32, #tpu.memory_space<vmem>>) attributes {dimension_semantics = [#tpu.dimension_semantics<arbitrary>], iteration_bounds = array<i64: 5>, scalar_prefetch = 0 : i64, scratch_operands = 0 : i64, tpu.core_type = #tpu.core_type<tc>, window_params = [{transform_indices = @transform_0, window_bounds = array<i64: 4000, 8>}, {pipeline_mode = #tpu.pipeline_mode<synchronous>, transform_indices = @transform_1, window_bounds = array<i64: 80, 128>}]} {
    %get3A = arith.constant 0 : index
    %get3A_0 = arith.constant 0 : index
    %get3A_1 = vector.load %arg1[%get3A, %get3A_0] : memref<4000x8xi32, #tpu.memory_space<vmem>>, vector<4000x8xi32>
    %broadcast_in_dim3A = arith.constant 0.000000e+00 : f32
    %broadcast_in_dim3A_2 = vector.broadcast %broadcast_in_dim3A : f32 to vector<80x128xf32>
    %slice3A = vector.extract_strided_slice %get3A_1 {offsets = [0, 0], sizes = [4000, 1], strides = [1, 1]} : vector<4000x8xi32> to vector<4000x1xi32>
    %shift_right_logical3A = arith.constant 7 : i32
    %shift_right_logical3A_3 = vector.broadcast %shift_right_logical3A : i32 to vector<4000x1xi32>
    %shift_right_logical3A_4 = arith.shrui %slice3A, %shift_right_logical3A_3 : vector<4000x1xi32>
    %and3A = arith.constant 127 : i32
    %and3A_5 = vector.broadcast %and3A : i32 to vector<4000x1xi32>
    %and3A_6 = arith.andi %slice3A, %and3A_5 : vector<4000x1xi32>
    %iota3A = tpu.iota {dimensions = array<i32: 1>} : vector<1x80xi32>
    %eq3A = vector.broadcast %shift_right_logical3A_4 : vector<4000x1xi32> to vector<4000x80xi32>
    %eq3A_7 = vector.broadcast %iota3A : vector<1x80xi32> to vector<4000x80xi32>
    %eq3A_8 = arith.cmpi eq, %eq3A, %eq3A_7 : vector<4000x80xi32>
    %convert_element_type3A = arith.extui %eq3A_8 : vector<4000x80xi1> to vector<4000x80xi32>
    %convert_element_type3A_9 = arith.sitofp %convert_element_type3A : vector<4000x80xi32> to vector<4000x80xf32>
    %convert_element_type3A_10 = arith.truncf %convert_element_type3A_9 : vector<4000x80xf32> to vector<4000x80xbf16>
    %iota3A_11 = tpu.iota {dimensions = array<i32: 1>} : vector<1x128xi32>
    %eq3A_12 = vector.broadcast %and3A_6 : vector<4000x1xi32> to vector<4000x128xi32>
    %eq3A_13 = vector.broadcast %iota3A_11 : vector<1x128xi32> to vector<4000x128xi32>
    %eq3A_14 = arith.cmpi eq, %eq3A_12, %eq3A_13 : vector<4000x128xi32>
    %convert_element_type3A_15 = arith.extui %eq3A_14 : vector<4000x128xi1> to vector<4000x128xi32>
    %convert_element_type3A_16 = arith.sitofp %convert_element_type3A_15 : vector<4000x128xi32> to vector<4000x128xf32>
    %convert_element_type3A_17 = arith.truncf %convert_element_type3A_16 : vector<4000x128xf32> to vector<4000x128xbf16>
    %dot_general3A = arith.constant dense<0.000000e+00> : vector<80x128xf32>
    %dot_general3A_18 = tpu.matmul %convert_element_type3A_10, %convert_element_type3A_17, %dot_general3A {dimension_numbers = #tpu.dot_dimension_numbers<[0], [0], [1], [1], [0, 1, 1, 1], [], []>, transpose_lhs_hint = false} : vector<4000x80xbf16>, vector<4000x128xbf16>, vector<80x128xf32> -> vector<80x128xf32>
    %add3A = arith.addf %broadcast_in_dim3A_2, %dot_general3A_18 : vector<80x128xf32>
    %slice3A_19 = vector.extract_strided_slice %get3A_1 {offsets = [0, 1], sizes = [4000, 1], strides = [1, 1]} : vector<4000x8xi32> to vector<4000x1xi32>
    %shift_right_logical3A_20 = arith.constant 7 : i32
    %shift_right_logical3A_21 = vector.broadcast %shift_right_logical3A_20 : i32 to vector<4000x1xi32>
    %shift_right_logical3A_22 = arith.shrui %slice3A_19, %shift_right_logical3A_21 : vector<4000x1xi32>
    %and3A_23 = arith.constant 127 : i32
    %and3A_24 = vector.broadcast %and3A_23 : i32 to vector<4000x1xi32>
    %and3A_25 = arith.andi %slice3A_19, %and3A_24 : vector<4000x1xi32>
    %iota3A_26 = tpu.iota {dimensions = array<i32: 1>} : vector<1x80xi32>
    %eq3A_27 = vector.broadcast %shift_right_logical3A_22 : vector<4000x1xi32> to vector<4000x80xi32>
    %eq3A_28 = vector.broadcast %iota3A_26 : vector<1x80xi32> to vector<4000x80xi32>
    %eq3A_29 = arith.cmpi eq, %eq3A_27, %eq3A_28 : vector<4000x80xi32>
    %convert_element_type3A_30 = arith.extui %eq3A_29 : vector<4000x80xi1> to vector<4000x80xi32>
    %convert_element_type3A_31 = arith.sitofp %convert_element_type3A_30 : vector<4000x80xi32> to vector<4000x80xf32>
    %convert_element_type3A_32 = arith.truncf %convert_element_type3A_31 : vector<4000x80xf32> to vector<4000x80xbf16>
    %iota3A_33 = tpu.iota {dimensions = array<i32: 1>} : vector<1x128xi32>
    %eq3A_34 = vector.broadcast %and3A_25 : vector<4000x1xi32> to vector<4000x128xi32>
    %eq3A_35 = vector.broadcast %iota3A_33 : vector<1x128xi32> to vector<4000x128xi32>
    %eq3A_36 = arith.cmpi eq, %eq3A_34, %eq3A_35 : vector<4000x128xi32>
    %convert_element_type3A_37 = arith.extui %eq3A_36 : vector<4000x128xi1> to vector<4000x128xi32>
    %convert_element_type3A_38 = arith.sitofp %convert_element_type3A_37 : vector<4000x128xi32> to vector<4000x128xf32>
    %convert_element_type3A_39 = arith.truncf %convert_element_type3A_38 : vector<4000x128xf32> to vector<4000x128xbf16>
    %dot_general3A_40 = arith.constant dense<0.000000e+00> : vector<80x128xf32>
    %dot_general3A_41 = tpu.matmul %convert_element_type3A_32, %convert_element_type3A_39, %dot_general3A_40 {dimension_numbers = #tpu.dot_dimension_numbers<[0], [0], [1], [1], [0, 1, 1, 1], [], []>, transpose_lhs_hint = false} : vector<4000x80xbf16>, vector<4000x128xbf16>, vector<80x128xf32> -> vector<80x128xf32>
    %add3A_42 = arith.addf %add3A, %dot_general3A_41 : vector<80x128xf32>
    %slice3A_43 = vector.extract_strided_slice %get3A_1 {offsets = [0, 2], sizes = [4000, 1], strides = [1, 1]} : vector<4000x8xi32> to vector<4000x1xi32>
    %shift_right_logical3A_44 = arith.constant 7 : i32
    %shift_right_logical3A_45 = vector.broadcast %shift_right_logical3A_44 : i32 to vector<4000x1xi32>
    %shift_right_logical3A_46 = arith.shrui %slice3A_43, %shift_right_logical3A_45 : vector<4000x1xi32>
    %and3A_47 = arith.constant 127 : i32
    %and3A_48 = vector.broadcast %and3A_47 : i32 to vector<4000x1xi32>
    %and3A_49 = arith.andi %slice3A_43, %and3A_48 : vector<4000x1xi32>
    %iota3A_50 = tpu.iota {dimensions = array<i32: 1>} : vector<1x80xi32>
    %eq3A_51 = vector.broadcast %shift_right_logical3A_46 : vector<4000x1xi32> to vector<4000x80xi32>
    %eq3A_52 = vector.broadcast %iota3A_50 : vector<1x80xi32> to vector<4000x80xi32>
    %eq3A_53 = arith.cmpi eq, %eq3A_51, %eq3A_52 : vector<4000x80xi32>
    %convert_element_type3A_54 = arith.extui %eq3A_53 : vector<4000x80xi1> to vector<4000x80xi32>
    %convert_element_type3A_55 = arith.sitofp %convert_element_type3A_54 : vector<4000x80xi32> to vector<4000x80xf32>
    %convert_element_type3A_56 = arith.truncf %convert_element_type3A_55 : vector<4000x80xf32> to vector<4000x80xbf16>
    %iota3A_57 = tpu.iota {dimensions = array<i32: 1>} : vector<1x128xi32>
    %eq3A_58 = vector.broadcast %and3A_49 : vector<4000x1xi32> to vector<4000x128xi32>
    %eq3A_59 = vector.broadcast %iota3A_57 : vector<1x128xi32> to vector<4000x128xi32>
    %eq3A_60 = arith.cmpi eq, %eq3A_58, %eq3A_59 : vector<4000x128xi32>
    %convert_element_type3A_61 = arith.extui %eq3A_60 : vector<4000x128xi1> to vector<4000x128xi32>
    %convert_element_type3A_62 = arith.sitofp %convert_element_type3A_61 : vector<4000x128xi32> to vector<4000x128xf32>
    %convert_element_type3A_63 = arith.truncf %convert_element_type3A_62 : vector<4000x128xf32> to vector<4000x128xbf16>
    %dot_general3A_64 = arith.constant dense<0.000000e+00> : vector<80x128xf32>
    %dot_general3A_65 = tpu.matmul %convert_element_type3A_56, %convert_element_type3A_63, %dot_general3A_64 {dimension_numbers = #tpu.dot_dimension_numbers<[0], [0], [1], [1], [0, 1, 1, 1], [], []>, transpose_lhs_hint = false} : vector<4000x80xbf16>, vector<4000x128xbf16>, vector<80x128xf32> -> vector<80x128xf32>
    %add3A_66 = arith.addf %add3A_42, %dot_general3A_65 : vector<80x128xf32>
    %slice3A_67 = vector.extract_strided_slice %get3A_1 {offsets = [0, 3], sizes = [4000, 1], strides = [1, 1]} : vector<4000x8xi32> to vector<4000x1xi32>
    %shift_right_logical3A_68 = arith.constant 7 : i32
    %shift_right_logical3A_69 = vector.broadcast %shift_right_logical3A_68 : i32 to vector<4000x1xi32>
    %shift_right_logical3A_70 = arith.shrui %slice3A_67, %shift_right_logical3A_69 : vector<4000x1xi32>
    %and3A_71 = arith.constant 127 : i32
    %and3A_72 = vector.broadcast %and3A_71 : i32 to vector<4000x1xi32>
    %and3A_73 = arith.andi %slice3A_67, %and3A_72 : vector<4000x1xi32>
    %iota3A_74 = tpu.iota {dimensions = array<i32: 1>} : vector<1x80xi32>
    %eq3A_75 = vector.broadcast %shift_right_logical3A_70 : vector<4000x1xi32> to vector<4000x80xi32>
    %eq3A_76 = vector.broadcast %iota3A_74 : vector<1x80xi32> to vector<4000x80xi32>
    %eq3A_77 = arith.cmpi eq, %eq3A_75, %eq3A_76 : vector<4000x80xi32>
    %convert_element_type3A_78 = arith.extui %eq3A_77 : vector<4000x80xi1> to vector<4000x80xi32>
    %convert_element_type3A_79 = arith.sitofp %convert_element_type3A_78 : vector<4000x80xi32> to vector<4000x80xf32>
    %convert_element_type3A_80 = arith.truncf %convert_element_type3A_79 : vector<4000x80xf32> to vector<4000x80xbf16>
    %iota3A_81 = tpu.iota {dimensions = array<i32: 1>} : vector<1x128xi32>
    %eq3A_82 = vector.broadcast %and3A_73 : vector<4000x1xi32> to vector<4000x128xi32>
    %eq3A_83 = vector.broadcast %iota3A_81 : vector<1x128xi32> to vector<4000x128xi32>
    %eq3A_84 = arith.cmpi eq, %eq3A_82, %eq3A_83 : vector<4000x128xi32>
    %convert_element_type3A_85 = arith.extui %eq3A_84 : vector<4000x128xi1> to vector<4000x128xi32>
    %convert_element_type3A_86 = arith.sitofp %convert_element_type3A_85 : vector<4000x128xi32> to vector<4000x128xf32>
    %convert_element_type3A_87 = arith.truncf %convert_element_type3A_86 : vector<4000x128xf32> to vector<4000x128xbf16>
    %dot_general3A_88 = arith.constant dense<0.000000e+00> : vector<80x128xf32>
    %dot_general3A_89 = tpu.matmul %convert_element_type3A_80, %convert_element_type3A_87, %dot_general3A_88 {dimension_numbers = #tpu.dot_dimension_numbers<[0], [0], [1], [1], [0, 1, 1, 1], [], []>, transpose_lhs_hint = false} : vector<4000x80xbf16>, vector<4000x128xbf16>, vector<80x128xf32> -> vector<80x128xf32>
    %add3A_90 = arith.addf %add3A_66, %dot_general3A_89 : vector<80x128xf32>
    %slice3A_91 = vector.extract_strided_slice %get3A_1 {offsets = [0, 4], sizes = [4000, 1], strides = [1, 1]} : vector<4000x8xi32> to vector<4000x1xi32>
    %shift_right_logical3A_92 = arith.constant 7 : i32
    %shift_right_logical3A_93 = vector.broadcast %shift_right_logical3A_92 : i32 to vector<4000x1xi32>
    %shift_right_logical3A_94 = arith.shrui %slice3A_91, %shift_right_logical3A_93 : vector<4000x1xi32>
    %and3A_95 = arith.constant 127 : i32
    %and3A_96 = vector.broadcast %and3A_95 : i32 to vector<4000x1xi32>
    %and3A_97 = arith.andi %slice3A_91, %and3A_96 : vector<4000x1xi32>
    %iota3A_98 = tpu.iota {dimensions = array<i32: 1>} : vector<1x80xi32>
    %eq3A_99 = vector.broadcast %shift_right_logical3A_94 : vector<4000x1xi32> to vector<4000x80xi32>
    %eq3A_100 = vector.broadcast %iota3A_98 : vector<1x80xi32> to vector<4000x80xi32>
    %eq3A_101 = arith.cmpi eq, %eq3A_99, %eq3A_100 : vector<4000x80xi32>
    %convert_element_type3A_102 = arith.extui %eq3A_101 : vector<4000x80xi1> to vector<4000x80xi32>
    %convert_element_type3A_103 = arith.sitofp %convert_element_type3A_102 : vector<4000x80xi32> to vector<4000x80xf32>
    %convert_element_type3A_104 = arith.truncf %convert_element_type3A_103 : vector<4000x80xf32> to vector<4000x80xbf16>
    %iota3A_105 = tpu.iota {dimensions = array<i32: 1>} : vector<1x128xi32>
    %eq3A_106 = vector.broadcast %and3A_97 : vector<4000x1xi32> to vector<4000x128xi32>
    %eq3A_107 = vector.broadcast %iota3A_105 : vector<1x128xi32> to vector<4000x128xi32>
    %eq3A_108 = arith.cmpi eq, %eq3A_106, %eq3A_107 : vector<4000x128xi32>
    %convert_element_type3A_109 = arith.extui %eq3A_108 : vector<4000x128xi1> to vector<4000x128xi32>
    %convert_element_type3A_110 = arith.sitofp %convert_element_type3A_109 : vector<4000x128xi32> to vector<4000x128xf32>
    %convert_element_type3A_111 = arith.truncf %convert_element_type3A_110 : vector<4000x128xf32> to vector<4000x128xbf16>
    %dot_general3A_112 = arith.constant dense<0.000000e+00> : vector<80x128xf32>
    %dot_general3A_113 = tpu.matmul %convert_element_type3A_104, %convert_element_type3A_111, %dot_general3A_112 {dimension_numbers = #tpu.dot_dimension_numbers<[0], [0], [1], [1], [0, 1, 1, 1], [], []>, transpose_lhs_hint = false} : vector<4000x80xbf16>, vector<4000x128xbf16>, vector<80x128xf32> -> vector<80x128xf32>
    %add3A_114 = arith.addf %add3A_90, %dot_general3A_113 : vector<80x128xf32>
    %slice3A_115 = vector.extract_strided_slice %get3A_1 {offsets = [0, 5], sizes = [4000, 1], strides = [1, 1]} : vector<4000x8xi32> to vector<4000x1xi32>
    %shift_right_logical3A_116 = arith.constant 7 : i32
    %shift_right_logical3A_117 = vector.broadcast %shift_right_logical3A_116 : i32 to vector<4000x1xi32>
    %shift_right_logical3A_118 = arith.shrui %slice3A_115, %shift_right_logical3A_117 : vector<4000x1xi32>
    %and3A_119 = arith.constant 127 : i32
    %and3A_120 = vector.broadcast %and3A_119 : i32 to vector<4000x1xi32>
    %and3A_121 = arith.andi %slice3A_115, %and3A_120 : vector<4000x1xi32>
    %iota3A_122 = tpu.iota {dimensions = array<i32: 1>} : vector<1x80xi32>
    %eq3A_123 = vector.broadcast %shift_right_logical3A_118 : vector<4000x1xi32> to vector<4000x80xi32>
    %eq3A_124 = vector.broadcast %iota3A_122 : vector<1x80xi32> to vector<4000x80xi32>
    %eq3A_125 = arith.cmpi eq, %eq3A_123, %eq3A_124 : vector<4000x80xi32>
    %convert_element_type3A_126 = arith.extui %eq3A_125 : vector<4000x80xi1> to vector<4000x80xi32>
    %convert_element_type3A_127 = arith.sitofp %convert_element_type3A_126 : vector<4000x80xi32> to vector<4000x80xf32>
    %convert_element_type3A_128 = arith.truncf %convert_element_type3A_127 : vector<4000x80xf32> to vector<4000x80xbf16>
    %iota3A_129 = tpu.iota {dimensions = array<i32: 1>} : vector<1x128xi32>
    %eq3A_130 = vector.broadcast %and3A_121 : vector<4000x1xi32> to vector<4000x128xi32>
    %eq3A_131 = vector.broadcast %iota3A_129 : vector<1x128xi32> to vector<4000x128xi32>
    %eq3A_132 = arith.cmpi eq, %eq3A_130, %eq3A_131 : vector<4000x128xi32>
    %convert_element_type3A_133 = arith.extui %eq3A_132 : vector<4000x128xi1> to vector<4000x128xi32>
    %convert_element_type3A_134 = arith.sitofp %convert_element_type3A_133 : vector<4000x128xi32> to vector<4000x128xf32>
    %convert_element_type3A_135 = arith.truncf %convert_element_type3A_134 : vector<4000x128xf32> to vector<4000x128xbf16>
    %dot_general3A_136 = arith.constant dense<0.000000e+00> : vector<80x128xf32>
    %dot_general3A_137 = tpu.matmul %convert_element_type3A_128, %convert_element_type3A_135, %dot_general3A_136 {dimension_numbers = #tpu.dot_dimension_numbers<[0], [0], [1], [1], [0, 1, 1, 1], [], []>, transpose_lhs_hint = false} : vector<4000x80xbf16>, vector<4000x128xbf16>, vector<80x128xf32> -> vector<80x128xf32>
    %add3A_138 = arith.addf %add3A_114, %dot_general3A_137 : vector<80x128xf32>
    %slice3A_139 = vector.extract_strided_slice %get3A_1 {offsets = [0, 6], sizes = [4000, 1], strides = [1, 1]} : vector<4000x8xi32> to vector<4000x1xi32>
    %shift_right_logical3A_140 = arith.constant 7 : i32
    %shift_right_logical3A_141 = vector.broadcast %shift_right_logical3A_140 : i32 to vector<4000x1xi32>
    %shift_right_logical3A_142 = arith.shrui %slice3A_139, %shift_right_logical3A_141 : vector<4000x1xi32>
    %and3A_143 = arith.constant 127 : i32
    %and3A_144 = vector.broadcast %and3A_143 : i32 to vector<4000x1xi32>
    %and3A_145 = arith.andi %slice3A_139, %and3A_144 : vector<4000x1xi32>
    %iota3A_146 = tpu.iota {dimensions = array<i32: 1>} : vector<1x80xi32>
    %eq3A_147 = vector.broadcast %shift_right_logical3A_142 : vector<4000x1xi32> to vector<4000x80xi32>
    %eq3A_148 = vector.broadcast %iota3A_146 : vector<1x80xi32> to vector<4000x80xi32>
    %eq3A_149 = arith.cmpi eq, %eq3A_147, %eq3A_148 : vector<4000x80xi32>
    %convert_element_type3A_150 = arith.extui %eq3A_149 : vector<4000x80xi1> to vector<4000x80xi32>
    %convert_element_type3A_151 = arith.sitofp %convert_element_type3A_150 : vector<4000x80xi32> to vector<4000x80xf32>
    %convert_element_type3A_152 = arith.truncf %convert_element_type3A_151 : vector<4000x80xf32> to vector<4000x80xbf16>
    %iota3A_153 = tpu.iota {dimensions = array<i32: 1>} : vector<1x128xi32>
    %eq3A_154 = vector.broadcast %and3A_145 : vector<4000x1xi32> to vector<4000x128xi32>
    %eq3A_155 = vector.broadcast %iota3A_153 : vector<1x128xi32> to vector<4000x128xi32>
    %eq3A_156 = arith.cmpi eq, %eq3A_154, %eq3A_155 : vector<4000x128xi32>
    %convert_element_type3A_157 = arith.extui %eq3A_156 : vector<4000x128xi1> to vector<4000x128xi32>
    %convert_element_type3A_158 = arith.sitofp %convert_element_type3A_157 : vector<4000x128xi32> to vector<4000x128xf32>
    %convert_element_type3A_159 = arith.truncf %convert_element_type3A_158 : vector<4000x128xf32> to vector<4000x128xbf16>
    %dot_general3A_160 = arith.constant dense<0.000000e+00> : vector<80x128xf32>
    %dot_general3A_161 = tpu.matmul %convert_element_type3A_152, %convert_element_type3A_159, %dot_general3A_160 {dimension_numbers = #tpu.dot_dimension_numbers<[0], [0], [1], [1], [0, 1, 1, 1], [], []>, transpose_lhs_hint = false} : vector<4000x80xbf16>, vector<4000x128xbf16>, vector<80x128xf32> -> vector<80x128xf32>
    %add3A_162 = arith.addf %add3A_138, %dot_general3A_161 : vector<80x128xf32>
    %slice3A_163 = vector.extract_strided_slice %get3A_1 {offsets = [0, 7], sizes = [4000, 1], strides = [1, 1]} : vector<4000x8xi32> to vector<4000x1xi32>
    %shift_right_logical3A_164 = arith.constant 7 : i32
    %shift_right_logical3A_165 = vector.broadcast %shift_right_logical3A_164 : i32 to vector<4000x1xi32>
    %shift_right_logical3A_166 = arith.shrui %slice3A_163, %shift_right_logical3A_165 : vector<4000x1xi32>
    %and3A_167 = arith.constant 127 : i32
    %and3A_168 = vector.broadcast %and3A_167 : i32 to vector<4000x1xi32>
    %and3A_169 = arith.andi %slice3A_163, %and3A_168 : vector<4000x1xi32>
    %iota3A_170 = tpu.iota {dimensions = array<i32: 1>} : vector<1x80xi32>
    %eq3A_171 = vector.broadcast %shift_right_logical3A_166 : vector<4000x1xi32> to vector<4000x80xi32>
    %eq3A_172 = vector.broadcast %iota3A_170 : vector<1x80xi32> to vector<4000x80xi32>
    %eq3A_173 = arith.cmpi eq, %eq3A_171, %eq3A_172 : vector<4000x80xi32>
    %convert_element_type3A_174 = arith.extui %eq3A_173 : vector<4000x80xi1> to vector<4000x80xi32>
    %convert_element_type3A_175 = arith.sitofp %convert_element_type3A_174 : vector<4000x80xi32> to vector<4000x80xf32>
    %convert_element_type3A_176 = arith.truncf %convert_element_type3A_175 : vector<4000x80xf32> to vector<4000x80xbf16>
    %iota3A_177 = tpu.iota {dimensions = array<i32: 1>} : vector<1x128xi32>
    %eq3A_178 = vector.broadcast %and3A_169 : vector<4000x1xi32> to vector<4000x128xi32>
    %eq3A_179 = vector.broadcast %iota3A_177 : vector<1x128xi32> to vector<4000x128xi32>
    %eq3A_180 = arith.cmpi eq, %eq3A_178, %eq3A_179 : vector<4000x128xi32>
    %convert_element_type3A_181 = arith.extui %eq3A_180 : vector<4000x128xi1> to vector<4000x128xi32>
    %convert_element_type3A_182 = arith.sitofp %convert_element_type3A_181 : vector<4000x128xi32> to vector<4000x128xf32>
    %convert_element_type3A_183 = arith.truncf %convert_element_type3A_182 : vector<4000x128xf32> to vector<4000x128xbf16>
    %dot_general3A_184 = arith.constant dense<0.000000e+00> : vector<80x128xf32>
    %dot_general3A_185 = tpu.matmul %convert_element_type3A_176, %convert_element_type3A_183, %dot_general3A_184 {dimension_numbers = #tpu.dot_dimension_numbers<[0], [0], [1], [1], [0, 1, 1, 1], [], []>, transpose_lhs_hint = false} : vector<4000x80xbf16>, vector<4000x128xbf16>, vector<80x128xf32> -> vector<80x128xf32>
    %add3A_186 = arith.addf %add3A_162, %dot_general3A_185 : vector<80x128xf32>
    %eq3A_187 = arith.constant 0 : i32
    %eq3A_188 = arith.cmpi eq, %arg0, %eq3A_187 : i32
    %convert_element_type3A_189 = arith.extui %eq3A_188 : i1 to i32
    %cond3A = arith.constant 0 : i32
    %cond3A_190 = arith.cmpi ne, %convert_element_type3A_189, %cond3A : i32
    scf.if %cond3A_190 {
      %broadcast_in_dim3A_197 = arith.constant 0.000000e+00 : f32
      %broadcast_in_dim3A_198 = vector.broadcast %broadcast_in_dim3A_197 : f32 to vector<80x128xf32>
      %swap3A_199 = arith.constant 0 : index
      %swap3A_200 = arith.constant 0 : index
      %swap3A_201 = vector.load %arg2[%swap3A_199, %swap3A_200] : memref<80x128xf32, #tpu.memory_space<vmem>>, vector<80x128xf32>
      tpu.vector_store %arg2[%swap3A_199, %swap3A_200], %broadcast_in_dim3A_198 {strides = array<i32>} : memref<80x128xf32, #tpu.memory_space<vmem>>, vector<80x128xf32>,
    } else {
    }
    %get3A_191 = arith.constant 0 : index
    %get3A_192 = arith.constant 0 : index
    %get3A_193 = vector.load %arg2[%get3A_191, %get3A_192] : memref<80x128xf32, #tpu.memory_space<vmem>>, vector<80x128xf32>
    %add3A_194 = arith.addf %get3A_193, %add3A_186 : vector<80x128xf32>
    %swap3A = arith.constant 0 : index
    %swap3A_195 = arith.constant 0 : index
    %swap3A_196 = vector.load %arg2[%swap3A, %swap3A_195] : memref<80x128xf32, #tpu.memory_space<vmem>>, vector<80x128xf32>
    tpu.vector_store %arg2[%swap3A, %swap3A_195], %add3A_194 {strides = array<i32>} : memref<80x128xf32, #tpu.memory_space<vmem>>, vector<80x128xf32>,
    return
  }
  func.func @transform_0(%arg0: i32) -> (i32, i32) {
    %c0_i32 = arith.constant 0 : i32
    %c0_i32_0 = arith.constant 0 : i32
    return %arg0, %c0_i32 : i32, i32
  }
  func.func @transform_1(%arg0: i32) -> (i32, i32) {
    %c0_i32 = arith.constant 0 : i32
    %c0_i32_0 = arith.constant 0 : i32
    %c0_i32_1 = arith.constant 0 : i32
    return %c0_i32, %c0_i32_0 : i32, i32
  }
}

module attributes {stable_mosaic.version = 14 : i64} {
  func.func @_mm_body(%arg0: i32, %arg1: memref<512x256xf32, #tpu.memory_space<vmem>>, %arg2: memref<256x256xf32, #tpu.memory_space<vmem>>, %arg3: memref<512x1xf32, #tpu.memory_space<vmem>>, %arg4: memref<512x128xf32, #tpu.memory_space<vmem>>, %arg5: memref<512x128xf32, #tpu.memory_space<vmem>>) attributes {dimension_semantics = [#tpu.dimension_semantics<arbitrary>], iteration_bounds = array<i64: 20>, scalar_prefetch = 0 : i64, scratch_operands = 0 : i64, tpu.core_type = #tpu.core_type<tc>, window_params = [{transform_indices = @transform_0, window_bounds = array<i64: 512, 256>}, {pipeline_mode = #tpu.pipeline_mode<synchronous>, transform_indices = @transform_1, window_bounds = array<i64: 256, 256>}, {transform_indices = @transform_2, window_bounds = array<i64: 512, 1>}, {transform_indices = @transform_3, window_bounds = array<i64: 512, 128>}, {transform_indices = @transform_4, window_bounds = array<i64: 512, 128>}]} {
    %get3A = arith.constant 0 : index
    %get3A_0 = arith.constant 0 : index
    %get3A_1 = vector.load %arg1[%get3A, %get3A_0] : memref<512x256xf32, #tpu.memory_space<vmem>>, vector<512x256xf32>
    %get3A_2 = arith.constant 0 : index
    %get3A_3 = arith.constant 0 : index
    %get3A_4 = vector.load %arg2[%get3A_2, %get3A_3] : memref<256x256xf32, #tpu.memory_space<vmem>>, vector<256x256xf32>
    %dot_general3A = arith.constant dense<0.000000e+00> : vector<512x256xf32>
    %dot_general3A_5 = tpu.matmul %get3A_1, %get3A_4, %dot_general3A {dimension_numbers = #tpu.dot_dimension_numbers<[1], [0], [0], [1], [0, 0, 1, 1], [], []>, transpose_lhs_hint = false} : vector<512x256xf32>, vector<256x256xf32>, vector<512x256xf32> -> vector<512x256xf32>
    %get3A_6 = arith.constant 0 : index
    %get3A_7 = arith.constant 0 : index
    %get3A_8 = vector.load %arg3[%get3A_6, %get3A_7] : memref<512x1xf32, #tpu.memory_space<vmem>>, vector<512x1xf32>
    %add3A = arith.constant 1.000000e+00 : f32
    %add3A_9 = vector.broadcast %add3A : f32 to vector<512x1xf32>
    %add3A_10 = arith.addf %get3A_8, %add3A_9 : vector<512x1xf32>
    %rsqrt3A = math.rsqrt %add3A_10 : vector<512x1xf32>
    %mul3A = vector.broadcast %rsqrt3A : vector<512x1xf32> to vector<512x256xf32>
    %mul3A_11 = arith.mulf %dot_general3A_5, %mul3A : vector<512x256xf32>
    %slice3A = vector.extract_strided_slice %mul3A_11 {offsets = [0, 0], sizes = [512, 128], strides = [1, 1]} : vector<512x256xf32> to vector<512x128xf32>
    %swap3A = arith.constant 0 : index
    %swap3A_12 = arith.constant 0 : index
    %swap3A_13 = vector.load %arg4[%swap3A, %swap3A_12] : memref<512x128xf32, #tpu.memory_space<vmem>>, vector<512x128xf32>
    tpu.vector_store %arg4[%swap3A, %swap3A_12], %slice3A {strides = array<i32>} : memref<512x128xf32, #tpu.memory_space<vmem>>, vector<512x128xf32>,
    %slice3A_14 = vector.extract_strided_slice %mul3A_11 {offsets = [0, 128], sizes = [512, 128], strides = [1, 1]} : vector<512x256xf32> to vector<512x128xf32>
    %swap3A_15 = arith.constant 0 : index
    %swap3A_16 = arith.constant 0 : index
    %swap3A_17 = vector.load %arg5[%swap3A_15, %swap3A_16] : memref<512x128xf32, #tpu.memory_space<vmem>>, vector<512x128xf32>
    tpu.vector_store %arg5[%swap3A_15, %swap3A_16], %slice3A_14 {strides = array<i32>} : memref<512x128xf32, #tpu.memory_space<vmem>>, vector<512x128xf32>,
    return
  }
  func.func @transform_0(%arg0: i32) -> (i32, i32) {
    %c0_i32 = arith.constant 0 : i32
    %c0_i32_0 = arith.constant 0 : i32
    return %arg0, %c0_i32 : i32, i32
  }
  func.func @transform_1(%arg0: i32) -> (i32, i32) {
    %c0_i32 = arith.constant 0 : i32
    %c0_i32_0 = arith.constant 0 : i32
    %c0_i32_1 = arith.constant 0 : i32
    return %c0_i32, %c0_i32_0 : i32, i32
  }
  func.func @transform_2(%arg0: i32) -> (i32, i32) {
    %c0_i32 = arith.constant 0 : i32
    %c0_i32_0 = arith.constant 0 : i32
    return %arg0, %c0_i32 : i32, i32
  }
  func.func @transform_3(%arg0: i32) -> (i32, i32) {
    %c0_i32 = arith.constant 0 : i32
    %c0_i32_0 = arith.constant 0 : i32
    return %arg0, %c0_i32 : i32, i32
  }
  func.func @transform_4(%arg0: i32) -> (i32, i32) {
    %c0_i32 = arith.constant 0 : i32
    %c0_i32_0 = arith.constant 0 : i32
    return %arg0, %c0_i32 : i32, i32
  }
}

module attributes {stable_mosaic.version = 14 : i64} {
  func.func @_mid_body(%arg0: i32, %arg1: memref<512x128xf32, #tpu.memory_space<vmem>>, %arg2: memref<512x128xf32, #tpu.memory_space<vmem>>, %arg3: memref<512x128xf32, #tpu.memory_space<vmem>>, %arg4: memref<512x128xf32, #tpu.memory_space<vmem>>, %arg5: memref<512x1xf32, #tpu.memory_space<vmem>>, %arg6: memref<1x256xf32, #tpu.memory_space<vmem>>, %arg7: memref<256x256xf32, #tpu.memory_space<vmem>>, %arg8: memref<512x128xf32, #tpu.memory_space<vmem>>, %arg9: memref<512x128xf32, #tpu.memory_space<vmem>>) attributes {dimension_semantics = [#tpu.dimension_semantics<arbitrary>], iteration_bounds = array<i64: 20>, scalar_prefetch = 0 : i64, scratch_operands = 0 : i64, tpu.core_type = #tpu.core_type<tc>, window_params = [{transform_indices = @transform_0, window_bounds = array<i64: 512, 128>}, {transform_indices = @transform_1, window_bounds = array<i64: 512, 128>}, {transform_indices = @transform_2, window_bounds = array<i64: 512, 128>}, {transform_indices = @transform_3, window_bounds = array<i64: 512, 128>}, {transform_indices = @transform_4, window_bounds = array<i64: 512, 1>}, {pipeline_mode = #tpu.pipeline_mode<synchronous>, transform_indices = @transform_5, window_bounds = array<i64: 1, 256>}, {pipeline_mode = #tpu.pipeline_mode<synchronous>, transform_indices = @transform_6, window_bounds = array<i64: 256, 256>}, {transform_indices = @transform_7, window_bounds = array<i64: 512, 128>}, {transform_indices = @transform_8, window_bounds = array<i64: 512, 128>}]} {
    %get3A = arith.constant 0 : index
    %get3A_0 = arith.constant 0 : index
    %get3A_1 = vector.load %arg5[%get3A, %get3A_0] : memref<512x1xf32, #tpu.memory_space<vmem>>, vector<512x1xf32>
    %add3A = arith.constant 1.000000e+00 : f32
    %add3A_2 = vector.broadcast %add3A : f32 to vector<512x1xf32>
    %add3A_3 = arith.addf %get3A_1, %add3A_2 : vector<512x1xf32>
    %rsqrt3A = math.rsqrt %add3A_3 : vector<512x1xf32>
    %get3A_4 = arith.constant 0 : index
    %get3A_5 = arith.constant 0 : index
    %get3A_6 = vector.load %arg1[%get3A_4, %get3A_5] : memref<512x128xf32, #tpu.memory_space<vmem>>, vector<512x128xf32>
    %get3A_7 = arith.constant 0 : index
    %get3A_8 = arith.constant 0 : index
    %get3A_9 = vector.load %arg3[%get3A_7, %get3A_8] : memref<512x128xf32, #tpu.memory_space<vmem>>, vector<512x128xf32>
    %add3A_10 = arith.addf %get3A_6, %get3A_9 : vector<512x128xf32>
    %mul3A = vector.broadcast %rsqrt3A : vector<512x1xf32> to vector<512x128xf32>
    %mul3A_11 = arith.mulf %add3A_10, %mul3A : vector<512x128xf32>
    %get3A_12 = arith.constant 0 : index
    %get3A_13 = arith.constant 0 : index
    %get3A_14 = vector.load %arg6[%get3A_12, %get3A_13] : memref<1x256xf32, #tpu.memory_space<vmem>>, vector<1x128xf32>
    %get3A_15 = vector.shape_cast %get3A_14 : vector<1x128xf32> to vector<128xf32>
    %broadcast_in_dim3A = vector.shape_cast %get3A_15 : vector<128xf32> to vector<1x128xf32>
    %add3A_16 = vector.broadcast %broadcast_in_dim3A : vector<1x128xf32> to vector<512x128xf32>
    %add3A_17 = arith.addf %mul3A_11, %add3A_16 : vector<512x128xf32>
    %get3A_18 = arith.constant 0 : index
    %get3A_19 = arith.constant 0 : index
    %get3A_20 = vector.load %arg2[%get3A_18, %get3A_19] : memref<512x128xf32, #tpu.memory_space<vmem>>, vector<512x128xf32>
    %get3A_21 = arith.constant 0 : index
    %get3A_22 = arith.constant 0 : index
    %get3A_23 = vector.load %arg4[%get3A_21, %get3A_22] : memref<512x128xf32, #tpu.memory_space<vmem>>, vector<512x128xf32>
    %add3A_24 = arith.addf %get3A_20, %get3A_23 : vector<512x128xf32>
    %mul3A_25 = vector.broadcast %rsqrt3A : vector<512x1xf32> to vector<512x128xf32>
    %mul3A_26 = arith.mulf %add3A_24, %mul3A_25 : vector<512x128xf32>
    %get3A_27 = arith.constant 0 : index
    %get3A_28 = arith.constant 128 : index
    %get3A_29 = vector.load %arg6[%get3A_27, %get3A_28] : memref<1x256xf32, #tpu.memory_space<vmem>>, vector<1x128xf32>
    %get3A_30 = vector.shape_cast %get3A_29 : vector<1x128xf32> to vector<128xf32>
    %broadcast_in_dim3A_31 = vector.shape_cast %get3A_30 : vector<128xf32> to vector<1x128xf32>
    %add3A_32 = vector.broadcast %broadcast_in_dim3A_31 : vector<1x128xf32> to vector<512x128xf32>
    %add3A_33 = arith.addf %mul3A_26, %add3A_32 : vector<512x128xf32>
    %concatenate3A = tpu.concatenate %add3A_17, %add3A_33 in 1 : vector<512x128xf32>, vector<512x128xf32> -> vector<512x256xf32>
    %max3A = arith.constant 0.000000e+00 : f32
    %max3A_34 = vector.broadcast %max3A : f32 to vector<512x256xf32>
    %max3A_35 = arith.maximumf %concatenate3A, %max3A_34 : vector<512x256xf32>
    %get3A_36 = arith.constant 0 : index
    %get3A_37 = arith.constant 0 : index
    %get3A_38 = vector.load %arg7[%get3A_36, %get3A_37] : memref<256x256xf32, #tpu.memory_space<vmem>>, vector<256x256xf32>
    %dot_general3A = arith.constant dense<0.000000e+00> : vector<512x256xf32>
    %dot_general3A_39 = tpu.matmul %max3A_35, %get3A_38, %dot_general3A {dimension_numbers = #tpu.dot_dimension_numbers<[1], [0], [0], [1], [0, 0, 1, 1], [], []>, transpose_lhs_hint = false} : vector<512x256xf32>, vector<256x256xf32>, vector<512x256xf32> -> vector<512x256xf32>
    %mul3A_40 = vector.broadcast %rsqrt3A : vector<512x1xf32> to vector<512x256xf32>
    %mul3A_41 = arith.mulf %dot_general3A_39, %mul3A_40 : vector<512x256xf32>
    %slice3A = vector.extract_strided_slice %mul3A_41 {offsets = [0, 0], sizes = [512, 128], strides = [1, 1]} : vector<512x256xf32> to vector<512x128xf32>
    %swap3A = arith.constant 0 : index
    %swap3A_42 = arith.constant 0 : index
    %swap3A_43 = vector.load %arg8[%swap3A, %swap3A_42] : memref<512x128xf32, #tpu.memory_space<vmem>>, vector<512x128xf32>
    tpu.vector_store %arg8[%swap3A, %swap3A_42], %slice3A {strides = array<i32>} : memref<512x128xf32, #tpu.memory_space<vmem>>, vector<512x128xf32>,
    %slice3A_44 = vector.extract_strided_slice %mul3A_41 {offsets = [0, 128], sizes = [512, 128], strides = [1, 1]} : vector<512x256xf32> to vector<512x128xf32>
    %swap3A_45 = arith.constant 0 : index
    %swap3A_46 = arith.constant 0 : index
    %swap3A_47 = vector.load %arg9[%swap3A_45, %swap3A_46] : memref<512x128xf32, #tpu.memory_space<vmem>>, vector<512x128xf32>
    tpu.vector_store %arg9[%swap3A_45, %swap3A_46], %slice3A_44 {strides = array<i32>} : memref<512x128xf32, #tpu.memory_space<vmem>>, vector<512x128xf32>,
    return
  }
  func.func @transform_0(%arg0: i32) -> (i32, i32) {
    %c0_i32 = arith.constant 0 : i32
    %c0_i32_0 = arith.constant 0 : i32
    return %arg0, %c0_i32 : i32, i32
  }
  func.func @transform_1(%arg0: i32) -> (i32, i32) {
    %c0_i32 = arith.constant 0 : i32
    %c0_i32_0 = arith.constant 0 : i32
    return %arg0, %c0_i32 : i32, i32
  }
  func.func @transform_2(%arg0: i32) -> (i32, i32) {
    %c0_i32 = arith.constant 0 : i32
    %c0_i32_0 = arith.constant 0 : i32
    return %arg0, %c0_i32 : i32, i32
  }
  func.func @transform_3(%arg0: i32) -> (i32, i32) {
    %c0_i32 = arith.constant 0 : i32
    %c0_i32_0 = arith.constant 0 : i32
    return %arg0, %c0_i32 : i32, i32
  }
  func.func @transform_4(%arg0: i32) -> (i32, i32) {
    %c0_i32 = arith.constant 0 : i32
    %c0_i32_0 = arith.constant 0 : i32
    return %arg0, %c0_i32 : i32, i32
  }
  func.func @transform_5(%arg0: i32) -> (i32, i32) {
    %c0_i32 = arith.constant 0 : i32
    %c0_i32_0 = arith.constant 0 : i32
    %c0_i32_1 = arith.constant 0 : i32
    return %c0_i32, %c0_i32_0 : i32, i32
  }
  func.func @transform_6(%arg0: i32) -> (i32, i32) {
    %c0_i32 = arith.constant 0 : i32
    %c0_i32_0 = arith.constant 0 : i32
    %c0_i32_1 = arith.constant 0 : i32
    return %c0_i32, %c0_i32_0 : i32, i32
  }
  func.func @transform_7(%arg0: i32) -> (i32, i32) {
    %c0_i32 = arith.constant 0 : i32
    %c0_i32_0 = arith.constant 0 : i32
    return %arg0, %c0_i32 : i32, i32
  }
  func.func @transform_8(%arg0: i32) -> (i32, i32) {
    %c0_i32 = arith.constant 0 : i32
    %c0_i32_0 = arith.constant 0 : i32
    return %arg0, %c0_i32 : i32, i32
  }
}

module attributes {stable_mosaic.version = 14 : i64} {
  func.func @_combine_body(%arg0: i32, %arg1: memref<512x128xf32, #tpu.memory_space<vmem>>, %arg2: memref<512x128xf32, #tpu.memory_space<vmem>>, %arg3: memref<512x128xf32, #tpu.memory_space<vmem>>, %arg4: memref<512x128xf32, #tpu.memory_space<vmem>>, %arg5: memref<512x1xf32, #tpu.memory_space<vmem>>, %arg6: memref<1x256xf32, #tpu.memory_space<vmem>>, %arg7: memref<512x256xf32, #tpu.memory_space<vmem>>) attributes {dimension_semantics = [#tpu.dimension_semantics<arbitrary>], iteration_bounds = array<i64: 20>, scalar_prefetch = 0 : i64, scratch_operands = 0 : i64, tpu.core_type = #tpu.core_type<tc>, window_params = [{transform_indices = @transform_0, window_bounds = array<i64: 512, 128>}, {transform_indices = @transform_1, window_bounds = array<i64: 512, 128>}, {transform_indices = @transform_2, window_bounds = array<i64: 512, 128>}, {transform_indices = @transform_3, window_bounds = array<i64: 512, 128>}, {transform_indices = @transform_4, window_bounds = array<i64: 512, 1>}, {pipeline_mode = #tpu.pipeline_mode<synchronous>, transform_indices = @transform_5, window_bounds = array<i64: 1, 256>}, {transform_indices = @transform_6, window_bounds = array<i64: 512, 256>}]} {
    %get3A = arith.constant 0 : index
    %get3A_0 = arith.constant 0 : index
    %get3A_1 = vector.load %arg5[%get3A, %get3A_0] : memref<512x1xf32, #tpu.memory_space<vmem>>, vector<512x1xf32>
    %add3A = arith.constant 1.000000e+00 : f32
    %add3A_2 = vector.broadcast %add3A : f32 to vector<512x1xf32>
    %add3A_3 = arith.addf %get3A_1, %add3A_2 : vector<512x1xf32>
    %rsqrt3A = math.rsqrt %add3A_3 : vector<512x1xf32>
    %get3A_4 = arith.constant 0 : index
    %get3A_5 = arith.constant 0 : index
    %get3A_6 = vector.load %arg1[%get3A_4, %get3A_5] : memref<512x128xf32, #tpu.memory_space<vmem>>, vector<512x128xf32>
    %get3A_7 = arith.constant 0 : index
    %get3A_8 = arith.constant 0 : index
    %get3A_9 = vector.load %arg3[%get3A_7, %get3A_8] : memref<512x128xf32, #tpu.memory_space<vmem>>, vector<512x128xf32>
    %add3A_10 = arith.addf %get3A_6, %get3A_9 : vector<512x128xf32>
    %mul3A = vector.broadcast %rsqrt3A : vector<512x1xf32> to vector<512x128xf32>
    %mul3A_11 = arith.mulf %add3A_10, %mul3A : vector<512x128xf32>
    %get3A_12 = arith.constant 0 : index
    %get3A_13 = arith.constant 0 : index
    %get3A_14 = vector.load %arg6[%get3A_12, %get3A_13] : memref<1x256xf32, #tpu.memory_space<vmem>>, vector<1x128xf32>
    %get3A_15 = vector.shape_cast %get3A_14 : vector<1x128xf32> to vector<128xf32>
    %broadcast_in_dim3A = vector.shape_cast %get3A_15 : vector<128xf32> to vector<1x128xf32>
    %add3A_16 = vector.broadcast %broadcast_in_dim3A : vector<1x128xf32> to vector<512x128xf32>
    %add3A_17 = arith.addf %mul3A_11, %add3A_16 : vector<512x128xf32>
    %get3A_18 = arith.constant 0 : index
    %get3A_19 = arith.constant 0 : index
    %get3A_20 = vector.load %arg2[%get3A_18, %get3A_19] : memref<512x128xf32, #tpu.memory_space<vmem>>, vector<512x128xf32>
    %get3A_21 = arith.constant 0 : index
    %get3A_22 = arith.constant 0 : index
    %get3A_23 = vector.load %arg4[%get3A_21, %get3A_22] : memref<512x128xf32, #tpu.memory_space<vmem>>, vector<512x128xf32>
    %add3A_24 = arith.addf %get3A_20, %get3A_23 : vector<512x128xf32>
    %mul3A_25 = vector.broadcast %rsqrt3A : vector<512x1xf32> to vector<512x128xf32>
    %mul3A_26 = arith.mulf %add3A_24, %mul3A_25 : vector<512x128xf32>
    %get3A_27 = arith.constant 0 : index
    %get3A_28 = arith.constant 128 : index
    %get3A_29 = vector.load %arg6[%get3A_27, %get3A_28] : memref<1x256xf32, #tpu.memory_space<vmem>>, vector<1x128xf32>
    %get3A_30 = vector.shape_cast %get3A_29 : vector<1x128xf32> to vector<128xf32>
    %broadcast_in_dim3A_31 = vector.shape_cast %get3A_30 : vector<128xf32> to vector<1x128xf32>
    %add3A_32 = vector.broadcast %broadcast_in_dim3A_31 : vector<1x128xf32> to vector<512x128xf32>
    %add3A_33 = arith.addf %mul3A_26, %add3A_32 : vector<512x128xf32>
    %concatenate3A = tpu.concatenate %add3A_17, %add3A_33 in 1 : vector<512x128xf32>, vector<512x128xf32> -> vector<512x256xf32>
    %swap3A = arith.constant 0 : index
    %swap3A_34 = arith.constant 0 : index
    %swap3A_35 = vector.load %arg7[%swap3A, %swap3A_34] : memref<512x256xf32, #tpu.memory_space<vmem>>, vector<512x256xf32>
    tpu.vector_store %arg7[%swap3A, %swap3A_34], %concatenate3A {strides = array<i32>} : memref<512x256xf32, #tpu.memory_space<vmem>>, vector<512x256xf32>,
    return
  }
  func.func @transform_0(%arg0: i32) -> (i32, i32) {
    %c0_i32 = arith.constant 0 : i32
    %c0_i32_0 = arith.constant 0 : i32
    return %arg0, %c0_i32 : i32, i32
  }
  func.func @transform_1(%arg0: i32) -> (i32, i32) {
    %c0_i32 = arith.constant 0 : i32
    %c0_i32_0 = arith.constant 0 : i32
    return %arg0, %c0_i32 : i32, i32
  }
  func.func @transform_2(%arg0: i32) -> (i32, i32) {
    %c0_i32 = arith.constant 0 : i32
    %c0_i32_0 = arith.constant 0 : i32
    return %arg0, %c0_i32 : i32, i32
  }
  func.func @transform_3(%arg0: i32) -> (i32, i32) {
    %c0_i32 = arith.constant 0 : i32
    %c0_i32_0 = arith.constant 0 : i32
    return %arg0, %c0_i32 : i32, i32
  }
  func.func @transform_4(%arg0: i32) -> (i32, i32) {
    %c0_i32 = arith.constant 0 : i32
    %c0_i32_0 = arith.constant 0 : i32
    return %arg0, %c0_i32 : i32, i32
  }
  func.func @transform_5(%arg0: i32) -> (i32, i32) {
    %c0_i32 = arith.constant 0 : i32
    %c0_i32_0 = arith.constant 0 : i32
    %c0_i32_1 = arith.constant 0 : i32
    return %c0_i32, %c0_i32_0 : i32, i32
  }
  func.func @transform_6(%arg0: i32) -> (i32, i32) {
    %c0_i32 = arith.constant 0 : i32
    %c0_i32_0 = arith.constant 0 : i32
    return %arg0, %c0_i32 : i32, i32
  }
}

</mosaic_0001>

<sc_bundles>
// kernel: kernel.11.cloned.1.call-start
scs
__scs_entry_jumppad:
0x0: {  	(pc) =	sbr.rel $0x88, $3  }
0x1: {  	(tag) =	ssettag $0x0;
	lr =	simm.s32 $0x1  }
0x2: {  	[smem:$0x3F9B] =	sst lr;
	_ =	strace $0xD0000000  }
0x3: {  	_ = 	snop  }
0x4: {  	_ = 	snop  }
0x5: {  	_ = 	snop  }
0x6: {  	_ = 	snop  }
0x7: {  	_ = 	snop  }
__scs_overlays_trampoline_lowered:
0x8: {  	[smem:$0x3FAA] =	sst s0  }
0x9: {  	[smem:$0x3FAB] =	sst s1  }
0xa: {  	[smem:$0x3FAC] =	sst s2  }
0xb: {  	[smem:$0x3FAD] =	sst s3  }
0xc: {  	[smem:$0x3FAE] =	sst s4  }
0xd: {  	[smem:$0x3FAF] =	sst s5  }
0xe: {  	[smem:$0x3FB0] =	sst s6  }
0xf: {  	[smem:$0x3FB1] =	sst s7  }
0x10: {  	[smem:$0x3FB2] =	sst s8  }
0x11: {  	[smem:$0x3FB3] =	sst s9;
	s0 =	simm.s32 @!p0 $0x0  }
0x12: {  	s1 =	sld [smem:$0x3F99];
	s0 =	simm.s32 @p0 $0x1  }
0x13: {  	[smem:$0x3FB4] =	sst s0;
	s0 =	simm.s32 @!p1 $0x0  }
0x14: {  	s2 =	sld [smem:$0x3F98];
	s0 =	simm.s32 @p1 $0x1  }
0x15: {  	[smem:$0x3FB5] =	sst s0;
	s0 =	simm.s32 @!p2 $0x0  }
0x16: {  	s3 =	sld [smem:$0x3FDB];
	s0 =	simm.s32 @p2 $0x1  }
0x17: {  	s4 =	simm.s32 $0x1BF5;
	[smem:$0x3FB7] =	sst s0  }
0x18: {  	s0 =	sld [smem:$0x3F9A];
	_ =	swait.ge [sflag:s4], $0x0  }
0x19: {  	s7 =	sld [smem:$0x3F9B]  }
0x1a: {  	s8 =	sadd.s32 $0xFFFFE003, lr  }
0x1b: {  	s9 =	sadd.s32 $0xFFFFFEF7, lr;
	s5 =	simm.s32 $0xFFFFFFFF;
	p2 =	slt.u32 s8, $0xFFFFF086  }
0x1c: {  	p1 =	slt.u32 s9, $0xF7A;
	s5 =	simm.s32 @!p2 $0x0  }
0x1d: {  	s5 =	simm.s32 @p1 $0x1;
	p0 =	seq.s32 s7, s2  }
0x1e: {  	s7 =	smul.u32 @!p0 $0xF7A, s2;
	p2 =	seq.s32 @!p0 s5, $0x0  }
0x1f: {  	s9 =	smul.u32 $0xF7A, s1;
	s8 =	simm.s32 @!p0 $0x1BF5;
	p2 =	por !p2, p0  }
0x20: {  	[sflag:s8] =	ssyncset.s32 @!p0 $0xFFFFF086;
	s6 =	sadd.s32 @!p0 s3, s7;
	s7 =	simm.s32 @!p0 $0x108  }
0x21: {  	s3 =	sadd.s32 s3, s9;
	s6 =	sadd.s32 @!p0 $0x88, s6;
	s7 =	simm.s32 @p2 $0x1082  }
0x22: {  	[simem:s7], [sflag:s8] =	dma.local @!p0 [hbm:s6], $0xF7A  }
0x23: {  	s9 =	sor.u32 $0xD0000000, s2;
	s6 =	simm.s32 $0x108;
	_ =	swait.ge @!p0 [sflag:s8], $0x0  }
0x24: {  	s3 =	sadd.s32 $0x88, s3;
	s6 =	simm.s32 @!p1 $0x1082;
	[sflag:s4] =	ssyncset.s32 $0xFFFFF086  }
0x25: {  	[simem:s6], [sflag:s4] =	dma.local [hbm:s3], $0xF7A  }
0x26: {  	[smem:$0x3F9B] =	sst s1;
	(tag) =	ssettag s2;
	_ =	strace s9  }
0x27: {  	s1 =	sld [smem:$0x3FAB]  }
0x28: {  	s2 =	sld [smem:$0x3FAC]  }
0x29: {  	s4 =	sld [smem:$0x3FAE]  }
0x2a: {  	p0 =	seq.s32 s5, $0x0;
	s5 =	sld [smem:$0x3FAF]  }
0x2b: {  	s6 =	sld [smem:$0x3FB0]  }
0x2c: {  	s7 =	sld [smem:$0x3FB1]  }
0x2d: {  	s3 =	simm.s32 $0x108;
	s8 =	sld [smem:$0x3FB2]  }
0x2e: {  	s3 =	simm.s32 @!p0 $0x1082;
	s9 =	sld [smem:$0x3FB3]  }
0x2f: {  	lr =	sadd.s32 s0, s3;
	s0 =	sld [smem:$0x3FAA]  }
0x30: {  	s3 =	sld [smem:$0x3FAD]  }
0x31: {  	[smem:$0x3FB6] =	sst s10  }
0x32: {  	s10 =	sld [smem:$0x3FB4];
	_ =	sdelay $0x3  }
0x33: {  	p0 =	seq.s32 s10, $0x1;
	s10 =	sld [smem:$0x3FB6];
	_ =	sdelay $0x3  }
0x34: {  	[smem:$0x3FB6] =	sst s10  }
0x35: {  	s10 =	sld [smem:$0x3FB5];
	_ =	sdelay $0x3  }
0x36: {  	p1 =	seq.s32 s10, $0x1;
	s10 =	sld [smem:$0x3FB6];
	_ =	sdelay $0x3  }
0x37: {  	[smem:$0x3FB6] =	sst s10  }
0x38: {  	s10 =	sld [smem:$0x3FB7]  }
0x39: {  	_ = 	snop;
	(pc) =	sbr.ind lr, $3  }
0x3a: {  	_ = 	snop  }
0x3b: {  	_ = 	snop  }
0x3c: {  	p2 =	seq.s32 s10, $0x1;
	s10 =	sld [smem:$0x3FB6]  }
0x3d: {  	_ =	shalt  }
0x3e: {  	_ =	shalt  }
0x3f: {  	_ =	shalt  }
0x40: {  	_ =	shalt  }
0x41: {  	_ =	shalt  }
0x42: {  	_ =	shalt  }
0x43: {  	_ =	shalt  }
0x44: {  	_ =	shalt  }
0x45: {  	_ =	shalt  }
0x46: {  	_ =	shalt  }
0x47: {  	_ =	shalt  }
0x48: {  	_ =	shalt  }
0x49: {  	_ =	shalt  }
0x4a: {  	_ =	shalt  }
0x4b: {  	_ =	shalt  }
0x4c: {  	_ =	shalt  }
0x4d: {  	_ =	shalt  }
0x4e: {  	_ =	shalt  }
0x4f: {  	_ =	shalt  }
0x50: {  	_ =	shalt  }
0x51: {  	_ =	shalt  }
0x52: {  	_ =	shalt  }
0x53: {  	_ =	shalt  }
0x54: {  	_ =	shalt  }
0x55: {  	_ =	shalt  }
0x56: {  	_ =	shalt  }
0x57: {  	_ =	shalt  }
0x58: {  	_ =	shalt  }
0x59: {  	_ =	shalt  }
0x5a: {  	_ =	shalt  }
0x5b: {  	_ =	shalt  }
0x5c: {  	_ =	shalt  }
0x5d: {  	_ =	shalt  }
0x5e: {  	_ =	shalt  }
0x5f: {  	_ =	shalt  }
0x60: {  	_ =	shalt  }
0x61: {  	_ =	shalt  }
0x62: {  	_ =	shalt  }
0x63: {  	_ =	shalt  }
0x64: {  	_ =	shalt  }
0x65: {  	_ =	shalt  }
0x66: {  	_ =	shalt  }
0x67: {  	_ =	shalt  }
0x68: {  	_ =	shalt  }
0x69: {  	_ =	shalt  }
0x6a: {  	_ =	shalt  }
0x6b: {  	_ =	shalt  }
0x6c: {  	_ =	shalt  }
0x6d: {  	_ =	shalt  }
0x6e: {  	_ =	shalt  }
0x6f: {  	_ =	shalt  }
0x70: {  	_ =	shalt  }
0x71: {  	_ =	shalt  }
0x72: {  	_ =	shalt  }
0x73: {  	_ =	shalt  }
0x74: {  	_ =	shalt  }
0x75: {  	_ =	shalt  }
0x76: {  	_ =	shalt  }
0x77: {  	_ =	shalt  }
0x78: {  	_ =	shalt  }
0x79: {  	_ =	shalt  }
0x7a: {  	_ =	shalt  }
0x7b: {  	_ =	shalt  }
0x7c: {  	_ =	shalt  }
0x7d: {  	_ =	shalt  }
0x7e: {  	_ =	shalt  }
0x7f: {  	_ =	shalt  }
0x80: {  	_ =	shalt  }
0x81: {  	_ =	shalt  }
0x82: {  	_ =	shalt  }
0x83: {  	_ =	shalt  }
0x84: {  	_ =	shalt  }
0x85: {  	_ =	shalt  }
0x86: {  	_ =	shalt  }
0x87: {  	_ =	shalt  }
.Lfunc_end0:
.L_simem_size_0:
called_computation.1_lowered:
.L_overlay_start_0:
0x88: {  	s2 =	sld [smem:$0x3FD9]  }
0x89: {  	s3 =	sld [smem:$0x3FFE];
	_ =	sdelay $0x1  }
0x8a: {  	s1 =	srdreg.scid  }
0x8b: {  	s0 =	sand.u32 $0x1, s1  }
0x8c: {  	s17 =	sshll.u32 s0, $0xA;
	s2 =	sadd.s32 s3, s2  }
0x8d: {  	s2 =	sadd.s32 s2, s17  }
0x8e: {  	[smem:$0x3FC2] =	sst s2  }
0x8f: {  	_ = 	snop  }
0x90: {  	s2 =	sld [smem:$0x3FD0];
	(tm) =	ssettm $0x1  }
0x91: {  	s18 =	sld [smem:$0x3FFB];
	_ =	sdelay $0x3  }
0x92: {  	_ =	strace s18  }
0x93: {  	s3 =	sld [smem:$0x3FFC];
	_ =	sdelay $0x3  }
0x94: {  	_ =	strace s3  }
0x95: {  	s3 =	sld [smem:$0x3FFD];
	_ =	sdelay $0x3  }
0x96: {  	_ =	strace s3  }
0x97: {  	_ =	strace $0x8FFFFFFF  }
0x98: {  	s19 =	sld [smem:$0x3FDB];
	_ =	sdelay $0x1  }
0x99: {  	s4 =	simm.s32 $_scs_section_size  }
0x9a: {  	s5 =	simm.s32 $_size__tile_overlayer_lowered;
	s6 =	simm.s32 $_tile_overlayer_lowered  }
0x9b: {  	s22 =	simm.s32 $0x1BFF;
	s21 =	sshll.u32 s6, $0x1;
	s3 =	sadd.s32 s4, s19  }
0x9c: {  	s7 =	simm.s32 $0x0;
	s20 =	sshll.u32 s5, $0x1;
	s5 =	sadd.s32 s21, s3  }
0x9d: {  	[timem:s7], [sflag:s22] =	dma.local [hbm:s5], s20  }
0x9e: {  	_ =	swait.ge [sflag:s22], s20  }
0x9f: {  	s4 =	ssub.s32 $0x0, s20;
	[sflag:s22] =	ssyncset.done $0x0  }
0xa0: {  	[sflag:s22] =	ssyncadd.s32 s4;
	_ =	sdelay $0x1  }
0xa1: {  	s23 =	simm.s32 $0x1B8B  }
0xa2: {  	_ =	swait.ge [sflag:s23], $0x1  }
0xa3: {  	[sflag:s23] =	ssyncset.done $0x0  }
0xa4: {  	s25 =	simm.s32 $0x1B8E;
	s24 =	sld [smem:$0x3FFE];
	[sflag:s23] =	ssyncadd.s32 $0xFFFFFFFF  }
0xa5: {  	s26 =	simm.s32 $execute0_lowered;
	[smem:$0x3FD2] =	sst s25  }
0xa6: {  	s5 =	sshll.u32 s26, $0x1;
	_ =	strace $0x80000049;
	[dreg:$0x1] =	wrdreg $0xFFFFFFFF  }
0xa7: {  	s28 =	simm.s32 $_size_execute0_lowered;
	s3 =	sadd.s32 s3, s5;
	[dreg:$0x0] =	wrdreg $0x0  }
0xa8: {  	s5 =	sshll.u32 s28, $0x1;
	[dreg:$0x2] =	wrdreg s3  }
0xa9: {  	[dreg:$0x3] =	wrdreg s5  }
0xaa: {  	[dreg:$0x4] =	wrdreg $0xC0  }
0xab: {  	_ =	task [dreg:s7], $0x5FFFF  }
0xac: {  	[dreg:$0x1] =	wrdreg $0xFFFFFFFF  }
0xad: {  	[dreg:$0x0] =	wrdreg $0x60  }
0xae: {  	[dreg:$0x2] =	wrdreg s2  }
0xaf: {  	[dreg:$0x3] =	wrdreg s24  }
0xb0: {  	[dreg:$0x4] =	wrdreg $0x90000  }
0xb1: {  	[dreg:$0x5] =	wrdreg $0x9  }
0xb2: {  	_ =	task.clear_ibuf [dreg:s7], $0x6FFFF;
	_ =	strace $0x90000049  }
0xb3: {  	s29 =	simm.s32 $0x9;
	_ =	strace $0x8000004B  }
0xb4: {  	_ =	swait.ge [sflag:s29], $0x1  }
0xb5: {  	[sflag:s29] =	ssyncadd.s32 $0xFFFFFFFF  }
0xb6: {  	_ =	strace $0x9000004B  }
0xb7: {  	_ =	sfence  }
0xb8: {  	s30 =	sld [smem:$0x0];
	_ =	sdelay $0x2  }
0xb9: {  	s31 =	sshll.u32 s1, $0xD;
	s1 =	sshrl.u32 s1, $0x2  }
0xba: {  	s3 =	sand.u32 $0x4000, s31;
	s1 =	sadd.s32 s1, s30  }
0xbb: {  	s0 =	sor.u32 s3, s0;
	s1 =	sshll.u32 s1, $0x11  }
0xbc: {  	s0 =	sor.u32 s1, s0  }
0xbd: {  	s0 =	sadd.s32 $0x8F2B, s0  }
0xbe: {  	[sflag:s0] =	ssyncadd.remote.s32 $0x1  }
0xbf: {  	_ =	sfence.sel $0xFFFF  }
0xc0: {  	[dreg:$0x0] =	wrdreg $0xFFFFFFFF;
	(pc) =	sbr.abs _section_cstart, $3  }
0xc1: {  	[dreg:$0x1] =	wrdreg $0xFFFFFFFF  }
0xc2: {  	_ =	task.clear_ibuf [dreg:s7], $0x2FFFF;
	_ =	strace $0x9FFFFFFF  }
0xc3: {  	(tm) =	ssettm $0x7FFFFFFF  }
tec
execute0_lowered:
.L_overlay_start_1:
0x0: {  	(tag) =	ssettag $0x1  }
0x1: {  	s1 =	rddreg [dreg:$0x0]  }
0x2: {  	s8 =	rddreg [dreg:$0x1]  }
0x3: {  	s3 =	rddreg [dreg:$0x2]  }
0x4: {  	s0 =	rddreg [dreg:$0x3];
	s4 =	simm.s32 $0x0  }
0x5: {  	s2 =	stileid.u32;
	s7 =	srdreg.scid;
	s16 =	simm.s32 $0x1  }
0x6: {  	s17 =	simm.s32 $0x80;
	s18 =	simm.s32 $0x5000;
	s19 =	simm.s32 $0x2  }
0x7: {  	s21 =	simm.s32 $0x0;
	[smem:$0x7FF] =	sst s4;
	s6 =	smul.u32 $0x500, s2  }
0x8: {  	s5 =	sadd.s32 $0x35600, s8;
	s14 =	sand.u32 $0x1, s7;
	s10 =	smul.u32 $0x50000, s2  }
0x9: {  	s7 =	sadd.s32 $0x5FE00, s8;
	s20 =	sshll.u32 s2, $0x6;
	_ =	strace $0x8000004A  }
0xa: {  	s9 =	ssub.s32 $0x2, s14;
	p0 =	sne.s32 s14, $0x0;
	s11 =	sadd.s32 s6, s8  }
.Ltmp0:
0xb: {  	s6 =	sadd.s32 $0x5D600, s8;
	s12 =	sshrl.u32 s9, $0x1;
	(pc) =	sbr.rel .LBB2_1-.Ltmp0, $4  }
0xc: {  	s8 =	sadd.s32 $0x87E00, s8;
	s31 =	sshrl.u32 s10, $0x2;
	s13 =	ssub.s32 s9, s12  }
0xd: {  	s15 =	sadd.s32 s31, s3;
	s9 =	sor.u32 $0x1C01, s20;
	s10 =	sadd.s32 $0x3600, s11  }
0xe: {  	s11 =	sadd.s32 $0x8600, s11;
	s12 =	smul.u32 $0x2800, s2;
	s20 =	sor.u32 $0x1C02, s20  }
0xf: {  	s13 =	smax.u32 s13, $0x1;
	s14 =	sshrl.u32 s15, $0x3;
	s15 =	simm.s32 $0x2800  }
.LBB2_7:
0x10: {  	s22 =	sshra.s32 s22, $0x2;
	[sflag:s19] =	ssyncadd.s32 $0xFFFFC000  }
0x11: {  	[tilespmem:s18], [sflag:$0x2] =	stream.indirect.gather [hbm4b:s5+s17], $0x80, s22, s17, $0xb8;
	[tilespmem:$0x1D000] =	vst v63  }
0x12: {  	_ =	swait.ge [sflag:s19], $0x4000  }
0x13: {  	[sflag:s19] =	ssyncset.done $0x0  }
0x14: {  	s22 =	sadd.s32 $0x2800, s22;
	[sflag:s19] =	ssyncadd.s32 $0xFFFFC000  }
0x15: {  	[spmem:s3] =	stream.indirect.scatter.add.f32 [tilespmem:s18], [sflag:$0x2], $0x80, s22, s17, $0xb8;
	[tilespmem:$0x1D000] =	vst v63  }
0x16: {  	_ =	swait.ge [sflag:s19], $0x4000  }
0x17: {  	[sflag:s19] =	ssyncset.done $0x0  }
0x18: {  	s22 =	smov.u32 s8;
	[sflag:s19] =	ssyncadd.s32 $0xFFFFC000  }
.LBB2_8:
0x19: {  	s21 =	sadd.s32 $0x1, s21  }
0x1a: {  	p1 =	sne.s32 s21, s13  }
.Ltmp1:
0x1b: {  	s22 =	sadd.s32 s22, s12;
	[bflag:$0x0] =	sbarrier.arrive $0xFFFF;
	(pc) =	sbr.rel @!p1 .LBB2_9-.Ltmp1, $4  }
0x1c: {  	[hbm:s22], [sflag:s20] =	dma.local [spmem:s14], $0x2800  }
0x1d: {  	_ =	swait.ge [sflag:s19], $0x2800  }
0x1e: {  	[sflag:s19] =	ssyncset.done $0x0  }
0x1f: {  	[sflag:s19] =	ssyncadd.s32 $0xFFFFD800  }
.LBB2_1:
0x20: {  	[spmem:s14], [sflag:s9] =	dma.local [hbm:s6], $0x2800  }
0x21: {  	[tilespmem:s4], [sflag:$0x1] =	stream.linear.gather [hbm4b:s10+s4], $0x2780, $0x38;
	[tilespmem:$0x1D000] =	vst v63  }
0x22: {  	_ = 	snop  }
0x23: {  	[tilespmem:s15], [sflag:$0x1] =	stream.linear.gather [hbm4b:s11+s4], $0x2780, $0x38;
	[tilespmem:$0x1D000] =	vst v63  }
0x24: {  	_ =	swait.ge [sflag:s16], $0x2800  }
0x25: {  	[sflag:s16] =	ssyncset.done $0x0  }
0x26: {  	[sflag:s16] =	ssyncadd.s32 $0xFFFFD800  }
0x27: {  	_ =	swait.ge [sflag:s16], $0x2780  }
0x28: {  	[sflag:s16] =	ssyncset.done $0x0  }
0x29: {  	[sflag:s16] =	ssyncadd.s32 $0xFFFFD880  }
.Ltmp2:
0x2a: {  	_ =	swait.ge [sflag:s16], $0x2780;
	(pc) =	sbr.rel @p0 .LBB2_5-.Ltmp2, $4  }
0x2b: {  	[sflag:s16] =	ssyncset.done $0x0  }
0x2c: {  	[sflag:s16] =	ssyncadd.s32 $0xFFFFD880  }
0x2d: {  	[bflag:$0x0] =	sbarrier.arrive $0xFFFF  }
0x2e: {  	s22 =	simm.s32 $0x0  }
0x2f: {  	[tilespmem:s18], [sflag:$0x2] =	stream.indirect.gather [hbm4b:s1+s17], $0x80, s22, s17, $0xb8;
	[tilespmem:$0x1D000] =	vst v63  }
0x30: {  	_ =	swait.ge [sflag:s19], $0x4000  }
0x31: {  	[sflag:s19] =	ssyncset.done $0x0  }
0x32: {  	s31 =	simm.s32 $0x2800;
	[sflag:s19] =	ssyncadd.s32 $0xFFFFC000  }
0x33: {  	[spmem:s3] =	stream.indirect.scatter.add.f32 [tilespmem:s18], [sflag:$0x2], $0x80, s31, s17, $0xb8;
	[tilespmem:$0x1D000] =	vst v63  }
0x34: {  	_ =	swait.ge [sflag:s19], $0x4000  }
0x35: {  	s22 =	simm.s32 $0x200;
	s23 =	simm.s32 $0x400;
	[sflag:s19] =	ssyncset.done $0x0  }
.LBB2_3:
0x36: {  	s24 =	sshra.s32 s22, $0x2  }
0x37: {  	[sflag:s19] =	ssyncadd.s32 $0xFFFFC000;
	s22 =	smov.u32 s23;
	s25 =	sadd.s32 $0x200, s23  }
0x38: {  	[tilespmem:s18], [sflag:$0x2] =	stream.indirect.gather [hbm4b:s1+s17], $0x80, s24, s17, $0xb8;
	[tilespmem:$0x1D000] =	vst v63  }
0x39: {  	p1 =	seq.s32 s23, $0x9C00;
	_ =	swait.ge [sflag:s19], $0x4000  }
.Ltmp3:
0x3a: {  	[sflag:s19] =	ssyncset.done $0x0;
	(pc) =	sbr.rel @!p1 .LBB2_3-.Ltmp3, $4  }
0x3b: {  	s23 =	sadd.s32 $0x2800, s24;
	[sflag:s19] =	ssyncadd.s32 $0xFFFFC000  }
0x3c: {  	[spmem:s3] =	stream.indirect.scatter.add.f32 [tilespmem:s18], [sflag:$0x2], $0x80, s23, s17, $0xb8;
	[tilespmem:$0x1D000] =	vst v63  }
0x3d: {  	_ =	swait.ge [sflag:s19], $0x4000  }
0x3e: {  	s23 =	smov.u32 s25;
	[sflag:s19] =	ssyncset.done $0x0  }
0x3f: {  	s22 =	sshra.s32 s22, $0x2;
	[sflag:s19] =	ssyncadd.s32 $0xFFFFC000  }
0x40: {  	[tilespmem:s18], [sflag:$0x2] =	stream.indirect.gather [hbm4b:s1+s17], $0x80, s22, s17, $0xb8;
	[tilespmem:$0x1D000] =	vst v63  }
0x41: {  	_ =	swait.ge [sflag:s19], $0x4000  }
0x42: {  	[sflag:s19] =	ssyncset.done $0x0  }
.Ltmp4:
0x43: {  	s22 =	sadd.s32 $0x2800, s22;
	[sflag:s19] =	ssyncadd.s32 $0xFFFFC000;
	(pc) =	sbr.rel .LBB2_8-.Ltmp4, $4  }
0x44: {  	[spmem:s3] =	stream.indirect.scatter.add.f32 [tilespmem:s18], [sflag:$0x2], $0x80, s22, s17, $0xb8;
	[tilespmem:$0x1D000] =	vst v63  }
0x45: {  	_ =	swait.ge [sflag:s19], $0x4000  }
0x46: {  	[sflag:s19] =	ssyncset.done $0x0  }
0x47: {  	s22 =	smov.u32 s7;
	[sflag:s19] =	ssyncadd.s32 $0xFFFFC000  }
.LBB2_5:
0x48: {  	[tilespmem:s18], [sflag:$0x2] =	stream.indirect.gather [hbm4b:s5+s17], $0x80, s22, s17, $0xb8;
	[tilespmem:$0x1D000] =	vst v63  }
0x49: {  	_ =	swait.ge [sflag:s19], $0x4000  }
0x4a: {  	[sflag:s19] =	ssyncset.done $0x0  }
0x4b: {  	s31 =	simm.s32 $0x2800;
	[sflag:s19] =	ssyncadd.s32 $0xFFFFC000  }
0x4c: {  	[spmem:s3] =	stream.indirect.scatter.add.f32 [tilespmem:s18], [sflag:$0x2], $0x80, s31, s17, $0xb8;
	[tilespmem:$0x1D000] =	vst v63  }
0x4d: {  	_ =	swait.ge [sflag:s19], $0x4000  }
0x4e: {  	s22 =	simm.s32 $0x200;
	s23 =	simm.s32 $0x400;
	[sflag:s19] =	ssyncset.done $0x0  }
.LBB2_6:
0x4f: {  	s24 =	sshra.s32 s22, $0x2  }
0x50: {  	[sflag:s19] =	ssyncadd.s32 $0xFFFFC000;
	s22 =	smov.u32 s23;
	s25 =	sadd.s32 $0x200, s23  }
0x51: {  	[tilespmem:s18], [sflag:$0x2] =	stream.indirect.gather [hbm4b:s5+s17], $0x80, s24, s17, $0xb8;
	[tilespmem:$0x1D000] =	vst v63  }
0x52: {  	p1 =	sne.s32 s23, $0x9C00;
	_ =	swait.ge [sflag:s19], $0x4000  }
.Ltmp5:
0x53: {  	[sflag:s19] =	ssyncset.done $0x0;
	(pc) =	sbr.rel @p1 .LBB2_6-.Ltmp5, $4  }
0x54: {  	s23 =	sadd.s32 $0x2800, s24;
	[sflag:s19] =	ssyncadd.s32 $0xFFFFC000  }
0x55: {  	[spmem:s3] =	stream.indirect.scatter.add.f32 [tilespmem:s18], [sflag:$0x2], $0x80, s23, s17, $0xb8;
	[tilespmem:$0x1D000] =	vst v63  }
0x56: {  	_ =	swait.ge [sflag:s19], $0x4000  }
0x57: {  	s23 =	smov.u32 s25;
	[sflag:s19] =	ssyncset.done $0x0  }
.Ltmp6:
0x58: {  	_ = 	snop;
	(pc) =	sbr.rel .LBB2_7-.Ltmp6, $1  }
0x59: {  	_ =	sdelay $0x3  }
.LBB2_9:
0x5a: {  	_ =	sfence.sel $0x180000  }
0x5b: {  	[bflag:$0x0] =	sbarrier.arrive $0xFFFF  }
0x5c: {  	p0 =	sne.s32 s2, $0x0;
	_ =	strace $0x9000004A  }
0x5d: {  	s0 =	sadd.s32 @!p0 $0x100000, s0;
	[bflag:$0x2] =	sbarrier.arrive $0xFFFF  }
0x5e: {  	[sflag:s0] =	ssyncadd.tile.s32 @!p0 $0x1;
	_ =	shalt  }
.Lfunc_end2:
_tile_overlayer_lowered:
.L_overlay_start_2:
0x5f: {  	(tag) =	ssettag $0x2  }
0x60: {  	s0 =	rddreg [dreg:$0x0];
	s2 =	stileid.u32  }
0x61: {  	s1 =	rddreg [dreg:$0x1];
	p0 =	sne.s32 s2, $0x0  }
0x62: {  	s3 =	rddreg [dreg:$0x2];
	[bflag:$0x3] =	sbarrier.arrive $0xFFFF;
	s2 =	simm.s32 @!p0 $0x1C02  }
0x63: {  	[timem:s3], [sflag:s2] =	dma.local @!p0 [hbm:s0], s1  }
0x64: {  	s0 =	simm.s32 @!p0 $0x2  }
0x65: {  	_ =	swait.ge @!p0 [sflag:s0], s1  }
0x66: {  	s1 =	ssub.s32 @!p0 $0x0, s1;
	[sflag:s0] =	ssyncset.done @!p0 $0x0  }
0x67: {  	[sflag:s0] =	ssyncadd.s32 @!p0 s1  }
0x68: {  	[bflag:$0x3] =	sbarrier.arrive $0xFFFF  }
0x69: {  	_ =	shalt  }

// kernel: kernel.8.cloned.1.call-start
scs
__scs_entry_jumppad:
0x0: {  	(pc) =	sbr.rel $0x88, $3  }
0x1: {  	(tag) =	ssettag $0x0;
	lr =	simm.s32 $0x1  }
0x2: {  	[smem:$0x3F9B] =	sst lr;
	_ =	strace $0xD0000000  }
0x3: {  	_ = 	snop  }
0x4: {  	_ = 	snop  }
0x5: {  	_ = 	snop  }
0x6: {  	_ = 	snop  }
0x7: {  	_ = 	snop  }
__scs_overlays_trampoline_lowered:
0x8: {  	[smem:$0x3FAA] =	sst s0  }
0x9: {  	[smem:$0x3FAB] =	sst s1  }
0xa: {  	[smem:$0x3FAC] =	sst s2  }
0xb: {  	[smem:$0x3FAD] =	sst s3  }
0xc: {  	[smem:$0x3FAE] =	sst s4  }
0xd: {  	[smem:$0x3FAF] =	sst s5  }
0xe: {  	[smem:$0x3FB0] =	sst s6  }
0xf: {  	[smem:$0x3FB1] =	sst s7  }
0x10: {  	[smem:$0x3FB2] =	sst s8  }
0x11: {  	[smem:$0x3FB3] =	sst s9;
	s0 =	simm.s32 @!p0 $0x0  }
0x12: {  	s1 =	sld [smem:$0x3F99];
	s0 =	simm.s32 @p0 $0x1  }
0x13: {  	[smem:$0x3FB4] =	sst s0;
	s0 =	simm.s32 @!p1 $0x0  }
0x14: {  	s2 =	sld [smem:$0x3F98];
	s0 =	simm.s32 @p1 $0x1  }
0x15: {  	[smem:$0x3FB5] =	sst s0;
	s0 =	simm.s32 @!p2 $0x0  }
0x16: {  	s3 =	sld [smem:$0x3FDB];
	s0 =	simm.s32 @p2 $0x1  }
0x17: {  	s4 =	simm.s32 $0x1BF5;
	[smem:$0x3FB7] =	sst s0  }
0x18: {  	s0 =	sld [smem:$0x3F9A];
	_ =	swait.ge [sflag:s4], $0x0  }
0x19: {  	s7 =	sld [smem:$0x3F9B]  }
0x1a: {  	s8 =	sadd.s32 $0xFFFFE003, lr  }
0x1b: {  	s9 =	sadd.s32 $0xFFFFFEF7, lr;
	s5 =	simm.s32 $0xFFFFFFFF;
	p2 =	slt.u32 s8, $0xFFFFF086  }
0x1c: {  	p1 =	slt.u32 s9, $0xF7A;
	s5 =	simm.s32 @!p2 $0x0  }
0x1d: {  	s5 =	simm.s32 @p1 $0x1;
	p0 =	seq.s32 s7, s2  }
0x1e: {  	s7 =	smul.u32 @!p0 $0xF7A, s2;
	p2 =	seq.s32 @!p0 s5, $0x0  }
0x1f: {  	s9 =	smul.u32 $0xF7A, s1;
	s8 =	simm.s32 @!p0 $0x1BF5;
	p2 =	por !p2, p0  }
0x20: {  	[sflag:s8] =	ssyncset.s32 @!p0 $0xFFFFF086;
	s6 =	sadd.s32 @!p0 s3, s7;
	s7 =	simm.s32 @!p0 $0x108  }
0x21: {  	s3 =	sadd.s32 s3, s9;
	s6 =	sadd.s32 @!p0 $0x88, s6;
	s7 =	simm.s32 @p2 $0x1082  }
0x22: {  	[simem:s7], [sflag:s8] =	dma.local @!p0 [hbm:s6], $0xF7A  }
0x23: {  	s9 =	sor.u32 $0xD0000000, s2;
	s6 =	simm.s32 $0x108;
	_ =	swait.ge @!p0 [sflag:s8], $0x0  }
0x24: {  	s3 =	sadd.s32 $0x88, s3;
	s6 =	simm.s32 @!p1 $0x1082;
	[sflag:s4] =	ssyncset.s32 $0xFFFFF086  }
0x25: {  	[simem:s6], [sflag:s4] =	dma.local [hbm:s3], $0xF7A  }
0x26: {  	[smem:$0x3F9B] =	sst s1;
	(tag) =	ssettag s2;
	_ =	strace s9  }
0x27: {  	s1 =	sld [smem:$0x3FAB]  }
0x28: {  	s2 =	sld [smem:$0x3FAC]  }
0x29: {  	s4 =	sld [smem:$0x3FAE]  }
0x2a: {  	p0 =	seq.s32 s5, $0x0;
	s5 =	sld [smem:$0x3FAF]  }
0x2b: {  	s6 =	sld [smem:$0x3FB0]  }
0x2c: {  	s7 =	sld [smem:$0x3FB1]  }
0x2d: {  	s3 =	simm.s32 $0x108;
	s8 =	sld [smem:$0x3FB2]  }
0x2e: {  	s3 =	simm.s32 @!p0 $0x1082;
	s9 =	sld [smem:$0x3FB3]  }
0x2f: {  	lr =	sadd.s32 s0, s3;
	s0 =	sld [smem:$0x3FAA]  }
0x30: {  	s3 =	sld [smem:$0x3FAD]  }
0x31: {  	[smem:$0x3FB6] =	sst s10  }
0x32: {  	s10 =	sld [smem:$0x3FB4];
	_ =	sdelay $0x3  }
0x33: {  	p0 =	seq.s32 s10, $0x1;
	s10 =	sld [smem:$0x3FB6];
	_ =	sdelay $0x3  }
0x34: {  	[smem:$0x3FB6] =	sst s10  }
0x35: {  	s10 =	sld [smem:$0x3FB5];
	_ =	sdelay $0x3  }
0x36: {  	p1 =	seq.s32 s10, $0x1;
	s10 =	sld [smem:$0x3FB6];
	_ =	sdelay $0x3  }
0x37: {  	[smem:$0x3FB6] =	sst s10  }
0x38: {  	s10 =	sld [smem:$0x3FB7]  }
0x39: {  	_ = 	snop;
	(pc) =	sbr.ind lr, $3  }
0x3a: {  	_ = 	snop  }
0x3b: {  	_ = 	snop  }
0x3c: {  	p2 =	seq.s32 s10, $0x1;
	s10 =	sld [smem:$0x3FB6]  }
0x3d: {  	_ =	shalt  }
0x3e: {  	_ =	shalt  }
0x3f: {  	_ =	shalt  }
0x40: {  	_ =	shalt  }
0x41: {  	_ =	shalt  }
0x42: {  	_ =	shalt  }
0x43: {  	_ =	shalt  }
0x44: {  	_ =	shalt  }
0x45: {  	_ =	shalt  }
0x46: {  	_ =	shalt  }
0x47: {  	_ =	shalt  }
0x48: {  	_ =	shalt  }
0x49: {  	_ =	shalt  }
0x4a: {  	_ =	shalt  }
0x4b: {  	_ =	shalt  }
0x4c: {  	_ =	shalt  }
0x4d: {  	_ =	shalt  }
0x4e: {  	_ =	shalt  }
0x4f: {  	_ =	shalt  }
0x50: {  	_ =	shalt  }
0x51: {  	_ =	shalt  }
0x52: {  	_ =	shalt  }
0x53: {  	_ =	shalt  }
0x54: {  	_ =	shalt  }
0x55: {  	_ =	shalt  }
0x56: {  	_ =	shalt  }
0x57: {  	_ =	shalt  }
0x58: {  	_ =	shalt  }
0x59: {  	_ =	shalt  }
0x5a: {  	_ =	shalt  }
0x5b: {  	_ =	shalt  }
0x5c: {  	_ =	shalt  }
0x5d: {  	_ =	shalt  }
0x5e: {  	_ =	shalt  }
0x5f: {  	_ =	shalt  }
0x60: {  	_ =	shalt  }
0x61: {  	_ =	shalt  }
0x62: {  	_ =	shalt  }
0x63: {  	_ =	shalt  }
0x64: {  	_ =	shalt  }
0x65: {  	_ =	shalt  }
0x66: {  	_ =	shalt  }
0x67: {  	_ =	shalt  }
0x68: {  	_ =	shalt  }
0x69: {  	_ =	shalt  }
0x6a: {  	_ =	shalt  }
0x6b: {  	_ =	shalt  }
0x6c: {  	_ =	shalt  }
0x6d: {  	_ =	shalt  }
0x6e: {  	_ =	shalt  }
0x6f: {  	_ =	shalt  }
0x70: {  	_ =	shalt  }
0x71: {  	_ =	shalt  }
0x72: {  	_ =	shalt  }
0x73: {  	_ =	shalt  }
0x74: {  	_ =	shalt  }
0x75: {  	_ =	shalt  }
0x76: {  	_ =	shalt  }
0x77: {  	_ =	shalt  }
0x78: {  	_ =	shalt  }
0x79: {  	_ =	shalt  }
0x7a: {  	_ =	shalt  }
0x7b: {  	_ =	shalt  }
0x7c: {  	_ =	shalt  }
0x7d: {  	_ =	shalt  }
0x7e: {  	_ =	shalt  }
0x7f: {  	_ =	shalt  }
0x80: {  	_ =	shalt  }
0x81: {  	_ =	shalt  }
0x82: {  	_ =	shalt  }
0x83: {  	_ =	shalt  }
0x84: {  	_ =	shalt  }
0x85: {  	_ =	shalt  }
0x86: {  	_ =	shalt  }
0x87: {  	_ =	shalt  }
.Lfunc_end0:
.L_simem_size_0:
called_computation_lowered:
.L_overlay_start_0:
0x88: {  	s2 =	sld [smem:$0x3FD9]  }
0x89: {  	s3 =	sld [smem:$0x3FFE];
	_ =	sdelay $0x1  }
0x8a: {  	s1 =	srdreg.scid  }
0x8b: {  	s0 =	sand.u32 $0x1, s1  }
0x8c: {  	s17 =	sshll.u32 s0, $0xA;
	s2 =	sadd.s32 s3, s2  }
0x8d: {  	s2 =	sadd.s32 s2, s17  }
0x8e: {  	[smem:$0x3FC2] =	sst s2  }
0x8f: {  	_ = 	snop  }
0x90: {  	s2 =	sld [smem:$0x3FD0];
	(tm) =	ssettm $0x1  }
0x91: {  	s18 =	sld [smem:$0x3FFB];
	_ =	sdelay $0x3  }
0x92: {  	_ =	strace s18  }
0x93: {  	s3 =	sld [smem:$0x3FFC];
	_ =	sdelay $0x3  }
0x94: {  	_ =	strace s3  }
0x95: {  	s3 =	sld [smem:$0x3FFD];
	_ =	sdelay $0x3  }
0x96: {  	_ =	strace s3  }
0x97: {  	_ =	strace $0x8FFFFFFF  }
0x98: {  	s19 =	sld [smem:$0x3FDB];
	_ =	sdelay $0x1  }
0x99: {  	s4 =	simm.s32 $_scs_section_size  }
0x9a: {  	s5 =	simm.s32 $_size__tile_overlayer_lowered;
	s6 =	simm.s32 $_tile_overlayer_lowered  }
0x9b: {  	s22 =	simm.s32 $0x1BFF;
	s21 =	sshll.u32 s6, $0x1;
	s3 =	sadd.s32 s4, s19  }
0x9c: {  	s7 =	simm.s32 $0x0;
	s20 =	sshll.u32 s5, $0x1;
	s5 =	sadd.s32 s21, s3  }
0x9d: {  	[timem:s7], [sflag:s22] =	dma.local [hbm:s5], s20  }
0x9e: {  	_ =	swait.ge [sflag:s22], s20  }
0x9f: {  	s4 =	ssub.s32 $0x0, s20;
	[sflag:s22] =	ssyncset.done $0x0  }
0xa0: {  	[sflag:s22] =	ssyncadd.s32 s4;
	_ =	sdelay $0x1  }
0xa1: {  	s23 =	simm.s32 $0x1B8B  }
0xa2: {  	_ =	swait.ge [sflag:s23], $0x1  }
0xa3: {  	[sflag:s23] =	ssyncset.done $0x0  }
0xa4: {  	s25 =	simm.s32 $0x1B8E;
	s24 =	sld [smem:$0x3FFE];
	[sflag:s23] =	ssyncadd.s32 $0xFFFFFFFF  }
0xa5: {  	s26 =	simm.s32 $execute0_lowered;
	[smem:$0x3FD2] =	sst s25  }
0xa6: {  	s5 =	sshll.u32 s26, $0x1;
	_ =	strace $0x80000046;
	[dreg:$0x1] =	wrdreg $0xFFFFFFFF  }
0xa7: {  	s28 =	simm.s32 $_size_execute0_lowered;
	s3 =	sadd.s32 s3, s5;
	[dreg:$0x0] =	wrdreg $0x0  }
0xa8: {  	s5 =	sshll.u32 s28, $0x1;
	[dreg:$0x2] =	wrdreg s3  }
0xa9: {  	[dreg:$0x3] =	wrdreg s5  }
0xaa: {  	[dreg:$0x4] =	wrdreg $0xC0  }
0xab: {  	_ =	task [dreg:s7], $0x5FFFF  }
0xac: {  	[dreg:$0x1] =	wrdreg $0xFFFFFFFF  }
0xad: {  	[dreg:$0x0] =	wrdreg $0x60  }
0xae: {  	[dreg:$0x2] =	wrdreg s2  }
0xaf: {  	[dreg:$0x3] =	wrdreg s24  }
0xb0: {  	[dreg:$0x4] =	wrdreg $0x90000  }
0xb1: {  	[dreg:$0x5] =	wrdreg $0x9  }
0xb2: {  	_ =	task.clear_ibuf [dreg:s7], $0x6FFFF;
	_ =	strace $0x90000046  }
0xb3: {  	s29 =	simm.s32 $0x9;
	_ =	strace $0x80000048  }
0xb4: {  	_ =	swait.ge [sflag:s29], $0x1  }
0xb5: {  	[sflag:s29] =	ssyncadd.s32 $0xFFFFFFFF  }
0xb6: {  	_ =	strace $0x90000048  }
0xb7: {  	_ =	sfence  }
0xb8: {  	s30 =	sld [smem:$0x0];
	_ =	sdelay $0x2  }
0xb9: {  	s31 =	sshll.u32 s1, $0xD;
	s1 =	sshrl.u32 s1, $0x2  }
0xba: {  	s3 =	sand.u32 $0x4000, s31;
	s1 =	sadd.s32 s1, s30  }
0xbb: {  	s0 =	sor.u32 s3, s0;
	s1 =	sshll.u32 s1, $0x11  }
0xbc: {  	s0 =	sor.u32 s1, s0  }
0xbd: {  	s0 =	sadd.s32 $0x8F2B, s0  }
0xbe: {  	[sflag:s0] =	ssyncadd.remote.s32 $0x1  }
0xbf: {  	_ =	sfence.sel $0xFFFF  }
0xc0: {  	[dreg:$0x0] =	wrdreg $0xFFFFFFFF;
	(pc) =	sbr.abs _section_cstart, $3  }
0xc1: {  	[dreg:$0x1] =	wrdreg $0xFFFFFFFF  }
0xc2: {  	_ =	task.clear_ibuf [dreg:s7], $0x2FFFF;
	_ =	strace $0x9FFFFFFF  }
0xc3: {  	(tm) =	ssettm $0x7FFFFFFF  }
tec
execute0_lowered:
.L_overlay_start_1:
0x0: {  	(tag) =	ssettag $0x1  }
0x1: {  	s1 =	rddreg [dreg:$0x0]  }
0x2: {  	s8 =	rddreg [dreg:$0x1]  }
0x3: {  	s3 =	rddreg [dreg:$0x2]  }
0x4: {  	s0 =	rddreg [dreg:$0x3];
	s4 =	simm.s32 $0x0  }
0x5: {  	s2 =	stileid.u32;
	s7 =	srdreg.scid;
	s16 =	simm.s32 $0x1  }
0x6: {  	s17 =	simm.s32 $0x80;
	s18 =	simm.s32 $0x5000;
	s19 =	simm.s32 $0x2  }
0x7: {  	s21 =	simm.s32 $0x0;
	[smem:$0x7FF] =	sst s4;
	s6 =	smul.u32 $0x500, s2  }
0x8: {  	s5 =	sadd.s32 $0x35600, s8;
	s14 =	sand.u32 $0x1, s7;
	s10 =	smul.u32 $0x50000, s2  }
0x9: {  	s7 =	sadd.s32 $0x5FE00, s8;
	s20 =	sshll.u32 s2, $0x6;
	_ =	strace $0x80000047  }
0xa: {  	s9 =	ssub.s32 $0x2, s14;
	p0 =	sne.s32 s14, $0x0;
	s11 =	sadd.s32 s6, s8  }
.Ltmp0:
0xb: {  	s6 =	sadd.s32 $0x5D600, s8;
	s12 =	sshrl.u32 s9, $0x1;
	(pc) =	sbr.rel .LBB2_1-.Ltmp0, $4  }
0xc: {  	s8 =	sadd.s32 $0x87E00, s8;
	s31 =	sshrl.u32 s10, $0x2;
	s13 =	ssub.s32 s9, s12  }
0xd: {  	s15 =	sadd.s32 s31, s3;
	s9 =	sor.u32 $0x1C01, s20;
	s10 =	sadd.s32 $0x3600, s11  }
0xe: {  	s11 =	sadd.s32 $0x8600, s11;
	s12 =	smul.u32 $0x2800, s2;
	s20 =	sor.u32 $0x1C02, s20  }
0xf: {  	s13 =	smax.u32 s13, $0x1;
	s14 =	sshrl.u32 s15, $0x3;
	s15 =	simm.s32 $0x2800  }
.LBB2_7:
0x10: {  	s22 =	sshra.s32 s22, $0x2;
	[sflag:s19] =	ssyncadd.s32 $0xFFFFC000  }
0x11: {  	[tilespmem:s18], [sflag:$0x2] =	stream.indirect.gather [hbm4b:s5+s17], $0x80, s22, s17, $0xb8;
	[tilespmem:$0x1D000] =	vst v63  }
0x12: {  	_ =	swait.ge [sflag:s19], $0x4000  }
0x13: {  	[sflag:s19] =	ssyncset.done $0x0  }
0x14: {  	s22 =	sadd.s32 $0x2800, s22;
	[sflag:s19] =	ssyncadd.s32 $0xFFFFC000  }
0x15: {  	[spmem:s3] =	stream.indirect.scatter.add.f32 [tilespmem:s18], [sflag:$0x2], $0x80, s22, s17, $0xb8;
	[tilespmem:$0x1D000] =	vst v63  }
0x16: {  	_ =	swait.ge [sflag:s19], $0x4000  }
0x17: {  	[sflag:s19] =	ssyncset.done $0x0  }
0x18: {  	s22 =	smov.u32 s8;
	[sflag:s19] =	ssyncadd.s32 $0xFFFFC000  }
.LBB2_8:
0x19: {  	s21 =	sadd.s32 $0x1, s21  }
0x1a: {  	p1 =	sne.s32 s21, s13  }
.Ltmp1:
0x1b: {  	s22 =	sadd.s32 s22, s12;
	[bflag:$0x0] =	sbarrier.arrive $0xFFFF;
	(pc) =	sbr.rel @!p1 .LBB2_9-.Ltmp1, $4  }
0x1c: {  	[hbm:s22], [sflag:s20] =	dma.local [spmem:s14], $0x2800  }
0x1d: {  	_ =	swait.ge [sflag:s19], $0x2800  }
0x1e: {  	[sflag:s19] =	ssyncset.done $0x0  }
0x1f: {  	[sflag:s19] =	ssyncadd.s32 $0xFFFFD800  }
.LBB2_1:
0x20: {  	[spmem:s14], [sflag:s9] =	dma.local [hbm:s6], $0x2800  }
0x21: {  	[tilespmem:s4], [sflag:$0x1] =	stream.linear.gather [hbm4b:s10+s4], $0x2780, $0x38;
	[tilespmem:$0x1D000] =	vst v63  }
0x22: {  	_ = 	snop  }
0x23: {  	[tilespmem:s15], [sflag:$0x1] =	stream.linear.gather [hbm4b:s11+s4], $0x2780, $0x38;
	[tilespmem:$0x1D000] =	vst v63  }
0x24: {  	_ =	swait.ge [sflag:s16], $0x2800  }
0x25: {  	[sflag:s16] =	ssyncset.done $0x0  }
0x26: {  	[sflag:s16] =	ssyncadd.s32 $0xFFFFD800  }
0x27: {  	_ =	swait.ge [sflag:s16], $0x2780  }
0x28: {  	[sflag:s16] =	ssyncset.done $0x0  }
0x29: {  	[sflag:s16] =	ssyncadd.s32 $0xFFFFD880  }
.Ltmp2:
0x2a: {  	_ =	swait.ge [sflag:s16], $0x2780;
	(pc) =	sbr.rel @p0 .LBB2_5-.Ltmp2, $4  }
0x2b: {  	[sflag:s16] =	ssyncset.done $0x0  }
0x2c: {  	[sflag:s16] =	ssyncadd.s32 $0xFFFFD880  }
0x2d: {  	[bflag:$0x0] =	sbarrier.arrive $0xFFFF  }
0x2e: {  	s22 =	simm.s32 $0x0  }
0x2f: {  	[tilespmem:s18], [sflag:$0x2] =	stream.indirect.gather [hbm4b:s1+s17], $0x80, s22, s17, $0xb8;
	[tilespmem:$0x1D000] =	vst v63  }
0x30: {  	_ =	swait.ge [sflag:s19], $0x4000  }
0x31: {  	[sflag:s19] =	ssyncset.done $0x0  }
0x32: {  	s31 =	simm.s32 $0x2800;
	[sflag:s19] =	ssyncadd.s32 $0xFFFFC000  }
0x33: {  	[spmem:s3] =	stream.indirect.scatter.add.f32 [tilespmem:s18], [sflag:$0x2], $0x80, s31, s17, $0xb8;
	[tilespmem:$0x1D000] =	vst v63  }
0x34: {  	_ =	swait.ge [sflag:s19], $0x4000  }
0x35: {  	s22 =	simm.s32 $0x200;
	s23 =	simm.s32 $0x400;
	[sflag:s19] =	ssyncset.done $0x0  }
.LBB2_3:
0x36: {  	s24 =	sshra.s32 s22, $0x2  }
0x37: {  	[sflag:s19] =	ssyncadd.s32 $0xFFFFC000;
	s22 =	smov.u32 s23;
	s25 =	sadd.s32 $0x200, s23  }
0x38: {  	[tilespmem:s18], [sflag:$0x2] =	stream.indirect.gather [hbm4b:s1+s17], $0x80, s24, s17, $0xb8;
	[tilespmem:$0x1D000] =	vst v63  }
0x39: {  	p1 =	seq.s32 s23, $0x9C00;
	_ =	swait.ge [sflag:s19], $0x4000  }
.Ltmp3:
0x3a: {  	[sflag:s19] =	ssyncset.done $0x0;
	(pc) =	sbr.rel @!p1 .LBB2_3-.Ltmp3, $4  }
0x3b: {  	s23 =	sadd.s32 $0x2800, s24;
	[sflag:s19] =	ssyncadd.s32 $0xFFFFC000  }
0x3c: {  	[spmem:s3] =	stream.indirect.scatter.add.f32 [tilespmem:s18], [sflag:$0x2], $0x80, s23, s17, $0xb8;
	[tilespmem:$0x1D000] =	vst v63  }
0x3d: {  	_ =	swait.ge [sflag:s19], $0x4000  }
0x3e: {  	s23 =	smov.u32 s25;
	[sflag:s19] =	ssyncset.done $0x0  }
0x3f: {  	s22 =	sshra.s32 s22, $0x2;
	[sflag:s19] =	ssyncadd.s32 $0xFFFFC000  }
0x40: {  	[tilespmem:s18], [sflag:$0x2] =	stream.indirect.gather [hbm4b:s1+s17], $0x80, s22, s17, $0xb8;
	[tilespmem:$0x1D000] =	vst v63  }
0x41: {  	_ =	swait.ge [sflag:s19], $0x4000  }
0x42: {  	[sflag:s19] =	ssyncset.done $0x0  }
.Ltmp4:
0x43: {  	s22 =	sadd.s32 $0x2800, s22;
	[sflag:s19] =	ssyncadd.s32 $0xFFFFC000;
	(pc) =	sbr.rel .LBB2_8-.Ltmp4, $4  }
0x44: {  	[spmem:s3] =	stream.indirect.scatter.add.f32 [tilespmem:s18], [sflag:$0x2], $0x80, s22, s17, $0xb8;
	[tilespmem:$0x1D000] =	vst v63  }
0x45: {  	_ =	swait.ge [sflag:s19], $0x4000  }
0x46: {  	[sflag:s19] =	ssyncset.done $0x0  }
0x47: {  	s22 =	smov.u32 s7;
	[sflag:s19] =	ssyncadd.s32 $0xFFFFC000  }
.LBB2_5:
0x48: {  	[tilespmem:s18], [sflag:$0x2] =	stream.indirect.gather [hbm4b:s5+s17], $0x80, s22, s17, $0xb8;
	[tilespmem:$0x1D000] =	vst v63  }
0x49: {  	_ =	swait.ge [sflag:s19], $0x4000  }
0x4a: {  	[sflag:s19] =	ssyncset.done $0x0  }
0x4b: {  	s31 =	simm.s32 $0x2800;
	[sflag:s19] =	ssyncadd.s32 $0xFFFFC000  }
0x4c: {  	[spmem:s3] =	stream.indirect.scatter.add.f32 [tilespmem:s18], [sflag:$0x2], $0x80, s31, s17, $0xb8;
	[tilespmem:$0x1D000] =	vst v63  }
0x4d: {  	_ =	swait.ge [sflag:s19], $0x4000  }
0x4e: {  	s22 =	simm.s32 $0x200;
	s23 =	simm.s32 $0x400;
	[sflag:s19] =	ssyncset.done $0x0  }
.LBB2_6:
0x4f: {  	s24 =	sshra.s32 s22, $0x2  }
0x50: {  	[sflag:s19] =	ssyncadd.s32 $0xFFFFC000;
	s22 =	smov.u32 s23;
	s25 =	sadd.s32 $0x200, s23  }
0x51: {  	[tilespmem:s18], [sflag:$0x2] =	stream.indirect.gather [hbm4b:s5+s17], $0x80, s24, s17, $0xb8;
	[tilespmem:$0x1D000] =	vst v63  }
0x52: {  	p1 =	sne.s32 s23, $0x9C00;
	_ =	swait.ge [sflag:s19], $0x4000  }
.Ltmp5:
0x53: {  	[sflag:s19] =	ssyncset.done $0x0;
	(pc) =	sbr.rel @p1 .LBB2_6-.Ltmp5, $4  }
0x54: {  	s23 =	sadd.s32 $0x2800, s24;
	[sflag:s19] =	ssyncadd.s32 $0xFFFFC000  }
0x55: {  	[spmem:s3] =	stream.indirect.scatter.add.f32 [tilespmem:s18], [sflag:$0x2], $0x80, s23, s17, $0xb8;
	[tilespmem:$0x1D000] =	vst v63  }
0x56: {  	_ =	swait.ge [sflag:s19], $0x4000  }
0x57: {  	s23 =	smov.u32 s25;
	[sflag:s19] =	ssyncset.done $0x0  }
.Ltmp6:
0x58: {  	_ = 	snop;
	(pc) =	sbr.rel .LBB2_7-.Ltmp6, $1  }
0x59: {  	_ =	sdelay $0x3  }
.LBB2_9:
0x5a: {  	_ =	sfence.sel $0x180000  }
0x5b: {  	[bflag:$0x0] =	sbarrier.arrive $0xFFFF  }
0x5c: {  	p0 =	sne.s32 s2, $0x0;
	_ =	strace $0x90000047  }
0x5d: {  	s0 =	sadd.s32 @!p0 $0x100000, s0;
	[bflag:$0x2] =	sbarrier.arrive $0xFFFF  }
0x5e: {  	[sflag:s0] =	ssyncadd.tile.s32 @!p0 $0x1;
	_ =	shalt  }
.Lfunc_end2:
_tile_overlayer_lowered:
.L_overlay_start_2:
0x5f: {  	(tag) =	ssettag $0x2  }
0x60: {  	s0 =	rddreg [dreg:$0x0];
	s2 =	stileid.u32  }
0x61: {  	s1 =	rddreg [dreg:$0x1];
	p0 =	sne.s32 s2, $0x0  }
0x62: {  	s3 =	rddreg [dreg:$0x2];
	[bflag:$0x3] =	sbarrier.arrive $0xFFFF;
	s2 =	simm.s32 @!p0 $0x1C02  }
0x63: {  	[timem:s3], [sflag:s2] =	dma.local @!p0 [hbm:s0], s1  }
0x64: {  	s0 =	simm.s32 @!p0 $0x2  }
0x65: {  	_ =	swait.ge @!p0 [sflag:s0], s1  }
0x66: {  	s1 =	ssub.s32 @!p0 $0x0, s1;
	[sflag:s0] =	ssyncset.done @!p0 $0x0  }
0x67: {  	[sflag:s0] =	ssyncadd.s32 @!p0 s1  }
0x68: {  	[bflag:$0x3] =	sbarrier.arrive $0xFFFF  }
0x69: {  	_ =	shalt  }

</sc_bundles>
